<compile_context>
chip_gen: v7x
topology: tpu7x:2x2x1
jax: 0.10.2.dev20260603
libtpu: 0.0.44.dev20260713+nightly
codegen_flags: <defaults>
</compile_context>

<pallas_src>
import math

import jax
import jax.numpy as jnp
from jax import lax
from jax.experimental import pallas as pl
from jax.experimental.pallas import tpu as pltpu
from jax.experimental.pallas import tpu_sc as plsc

_SIZE = 32000
_N = 4096
_PAD = 0
_SMOOTHING = 0.1
_CONF = 1.0 - _SMOOTHING
_SMOOTH = _SMOOTHING / (_SIZE - 2)
_ENT = (_SIZE - 2) * _SMOOTH * math.log(_SMOOTH) + _CONF * math.log(_CONF)

_NC = 2
_NS = 16
_NW = _NC * _NS
_BPW = _N // _NW
_L = 16
_CL = 128
_NG = _SIZE // _CL


def _sc_extract_body(cand_hbm, tgt_hbm, out_hbm, tgt_v, chunk_v, acc_v, sem):
    wid = lax.axis_index("s") * _NC + lax.axis_index("c")
    base = wid * _BPW
    pltpu.sync_copy(tgt_hbm.at[pl.ds(base, _BPW)], tgt_v)
    pltpu.async_copy(cand_hbm.at[pl.ds(base, _BPW)], chunk_v, sem).wait()
    acc = jnp.zeros((_L,), jnp.float32)
    zero = jnp.zeros((_L,), jnp.float32)
    for c in range(_BPW // _L):
        t = tgt_v[pl.ds(c * _L, _L)]
        rows16 = lax.iota(jnp.int32, _L) + c * _L
        lanes = lax.bitwise_and(t, _CL - 1)
        v = plsc.load_gather(chunk_v, [rows16, lanes])
        acc = acc + jnp.where(t != _PAD, v, zero)
    acc_v[...] = acc
    pltpu.sync_copy(acc_v, out_hbm.at[pl.ds(wid * _L, _L)])


_sc_extract = pl.kernel(
    _sc_extract_body,
    out_type=jax.ShapeDtypeStruct((_NW * _L,), jnp.float32),
    mesh=plsc.VectorSubcoreMesh(core_axis_name="c", subcore_axis_name="s"),
    scratch_types=[
        pltpu.VMEM((_BPW,), jnp.int32),
        pltpu.VMEM((_BPW, _CL), jnp.float32),
        pltpu.VMEM((_L,), jnp.float32),
        pltpu.SemaphoreType.DMA,
    ],
    compiler_params=pltpu.CompilerParams(needs_layout_passes=False),
)

_RB = 64


def _tree_sum(parts):
    while len(parts) > 1:
        nxt = [parts[i] + parts[i + 1] for i in range(0, len(parts) - 1, 2)]
        if len(parts) % 2:
            nxt.append(parts[-1])
        parts = nxt
    return parts[0]


def _tc_body(tgt_ref, x_ref, loss_ref, cnt_ref, cand_ref):
    i = pl.program_id(0)

    @pl.when(i == 0)
    def _init():
        loss_ref[0, 0] = 0.0
        cnt_ref[0, 0] = 0

    tb = tgt_ref[...]
    valid = tb != _PAD
    mi = valid.astype(jnp.int32)
    m = valid.astype(jnp.float32)
    xb = x_ref[...]
    parts = [xb[:, g * _CL : (g + 1) * _CL] for g in range(_NG)]
    sfold = _tree_sum(parts)
    s = 0
    while len(parts) > 1:
        bit = lax.bitwise_and(lax.shift_right_logical(tb, 7 + s), 1) == 1
        bitb = jnp.broadcast_to(bit, (_RB, _CL))
        nxt = [
            jnp.where(bitb, parts[i + 1], parts[i])
            for i in range(0, len(parts) - 1, 2)
        ]
        if len(parts) % 2:
            nxt.append(parts[-1])
        parts = nxt
        s += 1
    cand_ref[...] = parts[0]
    rs = jnp.sum(sfold, axis=1, keepdims=True)
    col0 = xb[:, 0:1]
    part = _ENT * jnp.sum(m) - _SMOOTH * jnp.sum(m * (rs - col0))
    loss_ref[0, 0] += part
    cnt_ref[0, 0] += jnp.sum(mi)


_tc_combine = pl.pallas_call(
    _tc_body,
    grid=(_N // _RB,),
    in_specs=[
        pl.BlockSpec((_RB, 1), lambda i: (i, 0)),
        pl.BlockSpec((_RB, _SIZE), lambda i: (i, 0)),
    ],
    out_specs=[
        pl.BlockSpec((1, 1), lambda i: (0, 0), memory_space=pltpu.SMEM),
        pl.BlockSpec((1, 1), lambda i: (0, 0), memory_space=pltpu.SMEM),
        pl.BlockSpec((_RB, _CL), lambda i: (i, 0)),
    ],
    out_shape=[
        jax.ShapeDtypeStruct((1, 1), jnp.float32),
        jax.ShapeDtypeStruct((1, 1), jnp.int32),
        jax.ShapeDtypeStruct((_N, _CL), jnp.float32),
    ],
    compiler_params=pltpu.CompilerParams(
        dimension_semantics=("arbitrary",),
    ),
)


def kernel(x, target):
    tgt = target.astype(jnp.int32)
    tgt2 = jnp.reshape(tgt, (_N, 1))
    loss_part, cnt, cand = _tc_combine(tgt2, x)
    gpart = _sc_extract(cand, tgt)
    loss = loss_part[0, 0] - (_CONF - _SMOOTH) * jnp.sum(gpart)
    return (loss, cnt[0, 0])

# --- scband reference (transcript-rebuilt; emitter-appended) ---
"""Pipeline reference for scband-label-smoothing-23974507446493 (READ-ONLY COPY).

The authoritative reference and input builder live on the scoring server;
editing this copy changes nothing except your own understanding.
"""

import jax, jax.numpy as jnp
import numpy as np
from jax.scipy.special import xlogy

SIZE = 32000
PADDING_IDX = 0
SMOOTHING = 0.1
CONFIDENCE = 1.0 - SMOOTHING


def setup_inputs(seed: int = 0) -> dict:
    key = jax.random.key(seed)
    k1, k2 = jax.random.split(key)
    x = jax.random.normal(k1, (4096, SIZE), dtype=jnp.float32)
    # treat x as log-probabilities (log_softmax to keep values realistic)
    x = jax.nn.log_softmax(x, axis=-1)
    target = jax.random.randint(k2, (4096,), 0, SIZE, dtype=jnp.int64)
    return {"x": x, "target": target}


def reference(x, target):
    n = x.shape[0]
    # true_dist = smoothing / (size - 2) everywhere
    true_dist = jnp.full(x.shape, SMOOTHING / (SIZE - 2), dtype=x.dtype)
    # scatter confidence at target positions (scatter-overwrite)
    true_dist = true_dist.at[jnp.arange(n), target].set(CONFIDENCE)
    # zero out padding column
    true_dist = true_dist.at[:, PADDING_IDX].set(0.0)
    # mask rows whose target is the padding index
    mask = (target != PADDING_IDX)[:, None]
    true_dist = true_dist * mask.astype(x.dtype)
    # KLDivLoss(reduction='sum'): sum(t * (log t - x)) with xlogy convention 0*log0=0
    loss = jnp.sum(xlogy(true_dist, true_dist) - true_dist * x)
    return (loss, jnp.sum(mask))

if __name__ == "__main__":
    import jax
    _d = setup_inputs()
    print(jax.jit(kernel)(*tuple(_d.values())))

</pallas_src>

<mosaic_0001>
#map = affine_map<(d0, d1) -> (0, 0)>
#map1 = affine_map<(d0, d1) -> (0)>
module attributes {stable_mosaic.version = 14 : i64} {
  func.func @_sc_extract_body(%arg0: i32, %arg1: i32, %arg2: memref<4096x128xf32, #tpu.memory_space<hbm>>, %arg3: memref<4096xi32, #tpu.memory_space<hbm>>, %arg4: memref<512xf32, #tpu.memory_space<hbm>>, %arg5: memref<128xi32, #tpu.memory_space<vmem>>, %arg6: memref<128x128xf32, #tpu.memory_space<vmem>>, %arg7: memref<16xf32, #tpu.memory_space<vmem>>, %arg8: memref<!tpu.dma_semaphore, #tpu.memory_space<semaphore_mem>>) attributes {dimension_semantics = [#tpu.dimension_semantics<core_parallel>, #tpu.dimension_semantics<subcore_parallel>], iteration_bounds = array<i64: 2, 16>, scalar_prefetch = 0 : i64, scratch_operands = 4 : i64, tpu.core_type = #tpu.core_type<sc_vector_subcore>, window_params = [{transform_indices = #map}, {transform_indices = #map1}, {transform_indices = #map1}]} {
    %mul3A = arith.constant 2 : i32
    %mul3A_0 = arith.muli %arg1, %mul3A : i32
    %add3A = arith.addi %mul3A_0, %arg0 : i32
    %mul3A_1 = arith.constant 128 : i32
    %mul3A_2 = arith.muli %add3A, %mul3A_1 : i32
    "tpu.region"() ({
      %run_scoped3A = tpu.sem_alloc : memref<!tpu.dma_semaphore, #tpu.memory_space<semaphore_mem>>
      %dma_start3A_129 = tpu.memref_slice %arg3[%mul3A_2] : memref<4096xi32, #tpu.memory_space<hbm>> -> memref<128xi32, #tpu.memory_space<hbm>>
      %dma_start3A_130 = tpu.memref_slice %arg3[%mul3A_2] : memref<4096xi32, #tpu.memory_space<hbm>> -> memref<128xi32, #tpu.memory_space<hbm>>
      tpu.enqueue_dma source(%dma_start3A_130 : memref<128xi32, #tpu.memory_space<hbm>>) target(%arg5 : memref<128xi32, #tpu.memory_space<vmem>>) target_semaphore(%run_scoped3A : memref<!tpu.dma_semaphore, #tpu.memory_space<semaphore_mem>>)
      %dma_wait3A_131 = tpu.memref_slice %arg3[%mul3A_2] : memref<4096xi32, #tpu.memory_space<hbm>> -> memref<128xi32, #tpu.memory_space<hbm>>
      %dma_wait3A_132 = tpu.memref_slice %arg3[%mul3A_2] : memref<4096xi32, #tpu.memory_space<hbm>> -> memref<128xi32, #tpu.memory_space<hbm>>
      tpu.wait_dma2 semaphore(%run_scoped3A : memref<!tpu.dma_semaphore, #tpu.memory_space<semaphore_mem>>) src(%dma_wait3A_132 : memref<128xi32, #tpu.memory_space<hbm>>) dst(%arg5 : memref<128xi32, #tpu.memory_space<vmem>>)
      tpu.yield
    }) : () -> ()
    %dma_start3A = arith.constant 0 : i32
    %dma_start3A_3 = tpu.memref_slice %arg2[%mul3A_2, %dma_start3A] : memref<4096x128xf32, #tpu.memory_space<hbm>> -> memref<128x128xf32, #tpu.memory_space<hbm>>
    %dma_start3A_4 = arith.constant 0 : i32
    %dma_start3A_5 = tpu.memref_slice %arg2[%mul3A_2, %dma_start3A_4] : memref<4096x128xf32, #tpu.memory_space<hbm>> -> memref<128x128xf32, #tpu.memory_space<hbm>>
    tpu.enqueue_dma source(%dma_start3A_5 : memref<128x128xf32, #tpu.memory_space<hbm>>) target(%arg6 : memref<128x128xf32, #tpu.memory_space<vmem>>) target_semaphore(%arg8 : memref<!tpu.dma_semaphore, #tpu.memory_space<semaphore_mem>>)
    %dma_wait3A = arith.constant 0 : i32
    %dma_wait3A_6 = tpu.memref_slice %arg2[%mul3A_2, %dma_wait3A] : memref<4096x128xf32, #tpu.memory_space<hbm>> -> memref<128x128xf32, #tpu.memory_space<hbm>>
    %dma_wait3A_7 = arith.constant 0 : i32
    %dma_wait3A_8 = tpu.memref_slice %arg2[%mul3A_2, %dma_wait3A_7] : memref<4096x128xf32, #tpu.memory_space<hbm>> -> memref<128x128xf32, #tpu.memory_space<hbm>>
    tpu.wait_dma2 semaphore(%arg8 : memref<!tpu.dma_semaphore, #tpu.memory_space<semaphore_mem>>) src(%dma_wait3A_8 : memref<128x128xf32, #tpu.memory_space<hbm>>) dst(%arg6 : memref<128x128xf32, #tpu.memory_space<vmem>>)
    %broadcast_in_dim3A = arith.constant 0.000000e+00 : f32
    %broadcast_in_dim3A_9 = vector.broadcast %broadcast_in_dim3A : f32 to vector<16xf32>
    %broadcast_in_dim3A_10 = arith.constant 0.000000e+00 : f32
    %broadcast_in_dim3A_11 = vector.broadcast %broadcast_in_dim3A_10 : f32 to vector<16xf32>
    %get3A = arith.constant 0 : index
    %get3A_12 = tpu.vector_load %arg5[%get3A] {strides = array<i32>} : memref<128xi32, #tpu.memory_space<vmem>>, vector<16xi32>,
    %iota3A = tpu.iota {dimensions = array<i32: 0>} : vector<16xi32>
    %add3A_13 = arith.constant 0 : i32
    %add3A_14 = vector.broadcast %add3A_13 : i32 to vector<16xi32>
    %add3A_15 = arith.addi %iota3A, %add3A_14 : vector<16xi32>
    %and3A = arith.constant 127 : i32
    %and3A_16 = vector.broadcast %and3A : i32 to vector<16xi32>
    %and3A_17 = arith.andi %get3A_12, %and3A_16 : vector<16xi32>
    %gather3A = tpu.vector_load_idx %arg6[%add3A_15, %and3A_17] : memref<128x128xf32, #tpu.memory_space<vmem>>[vector<16xi32>, vector<16xi32>], vector<16xf32>,
    %ne3A = arith.constant 0 : i32
    %ne3A_18 = vector.broadcast %ne3A : i32 to vector<16xi32>
    %ne3A_19 = arith.cmpi ne, %get3A_12, %ne3A_18 : vector<16xi32>
    %select_n3A = arith.select %ne3A_19, %gather3A, %broadcast_in_dim3A_11 : vector<16xi1>, vector<16xf32>
    %add3A_20 = arith.addf %broadcast_in_dim3A_9, %select_n3A : vector<16xf32>
    %get3A_21 = arith.constant 16 : index
    %get3A_22 = tpu.vector_load %arg5[%get3A_21] {strides = array<i32>} : memref<128xi32, #tpu.memory_space<vmem>>, vector<16xi32>,
    %iota3A_23 = tpu.iota {dimensions = array<i32: 0>} : vector<16xi32>
    %add3A_24 = arith.constant 16 : i32
    %add3A_25 = vector.broadcast %add3A_24 : i32 to vector<16xi32>
    %add3A_26 = arith.addi %iota3A_23, %add3A_25 : vector<16xi32>
    %and3A_27 = arith.constant 127 : i32
    %and3A_28 = vector.broadcast %and3A_27 : i32 to vector<16xi32>
    %and3A_29 = arith.andi %get3A_22, %and3A_28 : vector<16xi32>
    %gather3A_30 = tpu.vector_load_idx %arg6[%add3A_26, %and3A_29] : memref<128x128xf32, #tpu.memory_space<vmem>>[vector<16xi32>, vector<16xi32>], vector<16xf32>,
    %ne3A_31 = arith.constant 0 : i32
    %ne3A_32 = vector.broadcast %ne3A_31 : i32 to vector<16xi32>
    %ne3A_33 = arith.cmpi ne, %get3A_22, %ne3A_32 : vector<16xi32>
    %select_n3A_34 = arith.select %ne3A_33, %gather3A_30, %broadcast_in_dim3A_11 : vector<16xi1>, vector<16xf32>
    %add3A_35 = arith.addf %add3A_20, %select_n3A_34 : vector<16xf32>
    %get3A_36 = arith.constant 32 : index
    %get3A_37 = tpu.vector_load %arg5[%get3A_36] {strides = array<i32>} : memref<128xi32, #tpu.memory_space<vmem>>, vector<16xi32>,
    %iota3A_38 = tpu.iota {dimensions = array<i32: 0>} : vector<16xi32>
    %add3A_39 = arith.constant 32 : i32
    %add3A_40 = vector.broadcast %add3A_39 : i32 to vector<16xi32>
    %add3A_41 = arith.addi %iota3A_38, %add3A_40 : vector<16xi32>
    %and3A_42 = arith.constant 127 : i32
    %and3A_43 = vector.broadcast %and3A_42 : i32 to vector<16xi32>
    %and3A_44 = arith.andi %get3A_37, %and3A_43 : vector<16xi32>
    %gather3A_45 = tpu.vector_load_idx %arg6[%add3A_41, %and3A_44] : memref<128x128xf32, #tpu.memory_space<vmem>>[vector<16xi32>, vector<16xi32>], vector<16xf32>,
    %ne3A_46 = arith.constant 0 : i32
    %ne3A_47 = vector.broadcast %ne3A_46 : i32 to vector<16xi32>
    %ne3A_48 = arith.cmpi ne, %get3A_37, %ne3A_47 : vector<16xi32>
    %select_n3A_49 = arith.select %ne3A_48, %gather3A_45, %broadcast_in_dim3A_11 : vector<16xi1>, vector<16xf32>
    %add3A_50 = arith.addf %add3A_35, %select_n3A_49 : vector<16xf32>
    %get3A_51 = arith.constant 48 : index
    %get3A_52 = tpu.vector_load %arg5[%get3A_51] {strides = array<i32>} : memref<128xi32, #tpu.memory_space<vmem>>, vector<16xi32>,
    %iota3A_53 = tpu.iota {dimensions = array<i32: 0>} : vector<16xi32>
    %add3A_54 = arith.constant 48 : i32
    %add3A_55 = vector.broadcast %add3A_54 : i32 to vector<16xi32>
    %add3A_56 = arith.addi %iota3A_53, %add3A_55 : vector<16xi32>
    %and3A_57 = arith.constant 127 : i32
    %and3A_58 = vector.broadcast %and3A_57 : i32 to vector<16xi32>
    %and3A_59 = arith.andi %get3A_52, %and3A_58 : vector<16xi32>
    %gather3A_60 = tpu.vector_load_idx %arg6[%add3A_56, %and3A_59] : memref<128x128xf32, #tpu.memory_space<vmem>>[vector<16xi32>, vector<16xi32>], vector<16xf32>,
    %ne3A_61 = arith.constant 0 : i32
    %ne3A_62 = vector.broadcast %ne3A_61 : i32 to vector<16xi32>
    %ne3A_63 = arith.cmpi ne, %get3A_52, %ne3A_62 : vector<16xi32>
    %select_n3A_64 = arith.select %ne3A_63, %gather3A_60, %broadcast_in_dim3A_11 : vector<16xi1>, vector<16xf32>
    %add3A_65 = arith.addf %add3A_50, %select_n3A_64 : vector<16xf32>
    %get3A_66 = arith.constant 64 : index
    %get3A_67 = tpu.vector_load %arg5[%get3A_66] {strides = array<i32>} : memref<128xi32, #tpu.memory_space<vmem>>, vector<16xi32>,
    %iota3A_68 = tpu.iota {dimensions = array<i32: 0>} : vector<16xi32>
    %add3A_69 = arith.constant 64 : i32
    %add3A_70 = vector.broadcast %add3A_69 : i32 to vector<16xi32>
    %add3A_71 = arith.addi %iota3A_68, %add3A_70 : vector<16xi32>
    %and3A_72 = arith.constant 127 : i32
    %and3A_73 = vector.broadcast %and3A_72 : i32 to vector<16xi32>
    %and3A_74 = arith.andi %get3A_67, %and3A_73 : vector<16xi32>
    %gather3A_75 = tpu.vector_load_idx %arg6[%add3A_71, %and3A_74] : memref<128x128xf32, #tpu.memory_space<vmem>>[vector<16xi32>, vector<16xi32>], vector<16xf32>,
    %ne3A_76 = arith.constant 0 : i32
    %ne3A_77 = vector.broadcast %ne3A_76 : i32 to vector<16xi32>
    %ne3A_78 = arith.cmpi ne, %get3A_67, %ne3A_77 : vector<16xi32>
    %select_n3A_79 = arith.select %ne3A_78, %gather3A_75, %broadcast_in_dim3A_11 : vector<16xi1>, vector<16xf32>
    %add3A_80 = arith.addf %add3A_65, %select_n3A_79 : vector<16xf32>
    %get3A_81 = arith.constant 80 : index
    %get3A_82 = tpu.vector_load %arg5[%get3A_81] {strides = array<i32>} : memref<128xi32, #tpu.memory_space<vmem>>, vector<16xi32>,
    %iota3A_83 = tpu.iota {dimensions = array<i32: 0>} : vector<16xi32>
    %add3A_84 = arith.constant 80 : i32
    %add3A_85 = vector.broadcast %add3A_84 : i32 to vector<16xi32>
    %add3A_86 = arith.addi %iota3A_83, %add3A_85 : vector<16xi32>
    %and3A_87 = arith.constant 127 : i32
    %and3A_88 = vector.broadcast %and3A_87 : i32 to vector<16xi32>
    %and3A_89 = arith.andi %get3A_82, %and3A_88 : vector<16xi32>
    %gather3A_90 = tpu.vector_load_idx %arg6[%add3A_86, %and3A_89] : memref<128x128xf32, #tpu.memory_space<vmem>>[vector<16xi32>, vector<16xi32>], vector<16xf32>,
    %ne3A_91 = arith.constant 0 : i32
    %ne3A_92 = vector.broadcast %ne3A_91 : i32 to vector<16xi32>
    %ne3A_93 = arith.cmpi ne, %get3A_82, %ne3A_92 : vector<16xi32>
    %select_n3A_94 = arith.select %ne3A_93, %gather3A_90, %broadcast_in_dim3A_11 : vector<16xi1>, vector<16xf32>
    %add3A_95 = arith.addf %add3A_80, %select_n3A_94 : vector<16xf32>
    %get3A_96 = arith.constant 96 : index
    %get3A_97 = tpu.vector_load %arg5[%get3A_96] {strides = array<i32>} : memref<128xi32, #tpu.memory_space<vmem>>, vector<16xi32>,
    %iota3A_98 = tpu.iota {dimensions = array<i32: 0>} : vector<16xi32>
    %add3A_99 = arith.constant 96 : i32
    %add3A_100 = vector.broadcast %add3A_99 : i32 to vector<16xi32>
    %add3A_101 = arith.addi %iota3A_98, %add3A_100 : vector<16xi32>
    %and3A_102 = arith.constant 127 : i32
    %and3A_103 = vector.broadcast %and3A_102 : i32 to vector<16xi32>
    %and3A_104 = arith.andi %get3A_97, %and3A_103 : vector<16xi32>
    %gather3A_105 = tpu.vector_load_idx %arg6[%add3A_101, %and3A_104] : memref<128x128xf32, #tpu.memory_space<vmem>>[vector<16xi32>, vector<16xi32>], vector<16xf32>,
    %ne3A_106 = arith.constant 0 : i32
    %ne3A_107 = vector.broadcast %ne3A_106 : i32 to vector<16xi32>
    %ne3A_108 = arith.cmpi ne, %get3A_97, %ne3A_107 : vector<16xi32>
    %select_n3A_109 = arith.select %ne3A_108, %gather3A_105, %broadcast_in_dim3A_11 : vector<16xi1>, vector<16xf32>
    %add3A_110 = arith.addf %add3A_95, %select_n3A_109 : vector<16xf32>
    %get3A_111 = arith.constant 112 : index
    %get3A_112 = tpu.vector_load %arg5[%get3A_111] {strides = array<i32>} : memref<128xi32, #tpu.memory_space<vmem>>, vector<16xi32>,
    %iota3A_113 = tpu.iota {dimensions = array<i32: 0>} : vector<16xi32>
    %add3A_114 = arith.constant 112 : i32
    %add3A_115 = vector.broadcast %add3A_114 : i32 to vector<16xi32>
    %add3A_116 = arith.addi %iota3A_113, %add3A_115 : vector<16xi32>
    %and3A_117 = arith.constant 127 : i32
    %and3A_118 = vector.broadcast %and3A_117 : i32 to vector<16xi32>
    %and3A_119 = arith.andi %get3A_112, %and3A_118 : vector<16xi32>
    %gather3A_120 = tpu.vector_load_idx %arg6[%add3A_116, %and3A_119] : memref<128x128xf32, #tpu.memory_space<vmem>>[vector<16xi32>, vector<16xi32>], vector<16xf32>,
    %ne3A_121 = arith.constant 0 : i32
    %ne3A_122 = vector.broadcast %ne3A_121 : i32 to vector<16xi32>
    %ne3A_123 = arith.cmpi ne, %get3A_112, %ne3A_122 : vector<16xi32>
    %select_n3A_124 = arith.select %ne3A_123, %gather3A_120, %broadcast_in_dim3A_11 : vector<16xi1>, vector<16xf32>
    %add3A_125 = arith.addf %add3A_110, %select_n3A_124 : vector<16xf32>
    %swap3A = arith.constant 0 : index
    %swap3A_126 = tpu.vector_load %arg7[%swap3A] {strides = array<i32>} : memref<16xf32, #tpu.memory_space<vmem>>, vector<16xf32>,
    tpu.vector_store %arg7[%swap3A], %add3A_125 {strides = array<i32>} : memref<16xf32, #tpu.memory_space<vmem>>, vector<16xf32>,
    %mul3A_127 = arith.constant 16 : i32
    %mul3A_128 = arith.muli %add3A, %mul3A_127 : i32
    "tpu.region"() ({
      %run_scoped3A = tpu.sem_alloc : memref<!tpu.dma_semaphore, #tpu.memory_space<semaphore_mem>>
      %dma_start3A_129 = tpu.memref_slice %arg4[%mul3A_128] : memref<512xf32, #tpu.memory_space<hbm>> -> memref<16xf32, #tpu.memory_space<hbm>>
      %dma_start3A_130 = tpu.memref_slice %arg4[%mul3A_128] : memref<512xf32, #tpu.memory_space<hbm>> -> memref<16xf32, #tpu.memory_space<hbm>>
      tpu.enqueue_dma source(%arg7 : memref<16xf32, #tpu.memory_space<vmem>>) target(%dma_start3A_130 : memref<16xf32, #tpu.memory_space<hbm>>) target_semaphore(%run_scoped3A : memref<!tpu.dma_semaphore, #tpu.memory_space<semaphore_mem>>)
      %dma_wait3A_131 = tpu.memref_slice %arg4[%mul3A_128] : memref<512xf32, #tpu.memory_space<hbm>> -> memref<16xf32, #tpu.memory_space<hbm>>
      %dma_wait3A_132 = tpu.memref_slice %arg4[%mul3A_128] : memref<512xf32, #tpu.memory_space<hbm>> -> memref<16xf32, #tpu.memory_space<hbm>>
      tpu.wait_dma2 semaphore(%run_scoped3A : memref<!tpu.dma_semaphore, #tpu.memory_space<semaphore_mem>>) src(%arg7 : memref<16xf32, #tpu.memory_space<vmem>>) dst(%dma_wait3A_132 : memref<16xf32, #tpu.memory_space<hbm>>)
      tpu.yield
    }) : () -> ()
    return
  }
}

module attributes {stable_mosaic.version = 14 : i64} {
  func.func @_tc_body(%arg0: i32, %arg1: memref<64x1xi32, #tpu.memory_space<vmem>>, %arg2: memref<64x32000xf32, #tpu.memory_space<vmem>>, %arg3: memref<1x1xf32, #tpu.memory_space<smem>>, %arg4: memref<1x1xi32, #tpu.memory_space<smem>>, %arg5: memref<64x128xf32, #tpu.memory_space<vmem>>) attributes {dimension_semantics = [#tpu.dimension_semantics<arbitrary>], iteration_bounds = array<i64: 64>, scalar_prefetch = 0 : i64, scratch_operands = 0 : i64, tpu.core_type = #tpu.core_type<tc>, window_params = [{transform_indices = @transform_0, window_bounds = array<i64: 64, 1>}, {transform_indices = @transform_1, window_bounds = array<i64: 64, 32000>}, {transform_indices = @transform_2, window_bounds = array<i64: 1, 1>}, {transform_indices = @transform_3, window_bounds = array<i64: 1, 1>}, {transform_indices = @transform_4, window_bounds = array<i64: 64, 128>}]} {
    %eq3A = arith.constant 0 : i32
    %eq3A_0 = arith.cmpi eq, %arg0, %eq3A : i32
    %convert_element_type3A = arith.extui %eq3A_0 : i1 to i32
    %cond3A = arith.constant 0 : i32
    %cond3A_1 = arith.cmpi ne, %convert_element_type3A, %cond3A : i32
    scf.if %cond3A_1 {
      %swap3A_881 = arith.constant 0.000000e+00 : f32
      %swap3A_882 = arith.constant 0 : index
      %swap3A_883 = arith.constant 0 : index
      %swap3A_884 = memref.load %arg3[%swap3A_882, %swap3A_883] : memref<1x1xf32, #tpu.memory_space<smem>>
      memref.store %swap3A_881, %arg3[%swap3A_882, %swap3A_883] : memref<1x1xf32, #tpu.memory_space<smem>>
      %swap3A_885 = arith.constant 0 : i32
      %swap3A_886 = arith.constant 0 : index
      %swap3A_887 = arith.constant 0 : index
      %swap3A_888 = memref.load %arg4[%swap3A_886, %swap3A_887] : memref<1x1xi32, #tpu.memory_space<smem>>
      memref.store %swap3A_885, %arg4[%swap3A_886, %swap3A_887] : memref<1x1xi32, #tpu.memory_space<smem>>
    } else {
    }
    %get3A = arith.constant 0 : index
    %get3A_2 = arith.constant 0 : index
    %get3A_3 = vector.load %arg1[%get3A, %get3A_2] : memref<64x1xi32, #tpu.memory_space<vmem>>, vector<64x1xi32>
    %ne3A = arith.constant 0 : i32
    %ne3A_4 = vector.broadcast %ne3A : i32 to vector<64x1xi32>
    %ne3A_5 = arith.cmpi ne, %get3A_3, %ne3A_4 : vector<64x1xi32>
    %convert_element_type3A_6 = arith.extui %ne3A_5 : vector<64x1xi1> to vector<64x1xi32>
    %convert_element_type3A_7 = arith.extui %ne3A_5 : vector<64x1xi1> to vector<64x1xi32>
    %convert_element_type3A_8 = arith.sitofp %convert_element_type3A_7 : vector<64x1xi32> to vector<64x1xf32>
    %get3A_9 = arith.constant 0 : index
    %get3A_10 = arith.constant 0 : index
    %get3A_11 = vector.load %arg2[%get3A_9, %get3A_10] : memref<64x32000xf32, #tpu.memory_space<vmem>>, vector<64x32000xf32>
    %slice3A = vector.extract_strided_slice %get3A_11 {offsets = [0, 0], sizes = [64, 128], strides = [1, 1]} : vector<64x32000xf32> to vector<64x128xf32>
    %slice3A_12 = vector.extract_strided_slice %get3A_11 {offsets = [0, 128], sizes = [64, 128], strides = [1, 1]} : vector<64x32000xf32> to vector<64x128xf32>
    %slice3A_13 = vector.extract_strided_slice %get3A_11 {offsets = [0, 256], sizes = [64, 128], strides = [1, 1]} : vector<64x32000xf32> to vector<64x128xf32>
    %slice3A_14 = vector.extract_strided_slice %get3A_11 {offsets = [0, 384], sizes = [64, 128], strides = [1, 1]} : vector<64x32000xf32> to vector<64x128xf32>
    %slice3A_15 = vector.extract_strided_slice %get3A_11 {offsets = [0, 512], sizes = [64, 128], strides = [1, 1]} : vector<64x32000xf32> to vector<64x128xf32>
    %slice3A_16 = vector.extract_strided_slice %get3A_11 {offsets = [0, 640], sizes = [64, 128], strides = [1, 1]} : vector<64x32000xf32> to vector<64x128xf32>
    %slice3A_17 = vector.extract_strided_slice %get3A_11 {offsets = [0, 768], sizes = [64, 128], strides = [1, 1]} : vector<64x32000xf32> to vector<64x128xf32>
    %slice3A_18 = vector.extract_strided_slice %get3A_11 {offsets = [0, 896], sizes = [64, 128], strides = [1, 1]} : vector<64x32000xf32> to vector<64x128xf32>
    %slice3A_19 = vector.extract_strided_slice %get3A_11 {offsets = [0, 1024], sizes = [64, 128], strides = [1, 1]} : vector<64x32000xf32> to vector<64x128xf32>
    %slice3A_20 = vector.extract_strided_slice %get3A_11 {offsets = [0, 1152], sizes = [64, 128], strides = [1, 1]} : vector<64x32000xf32> to vector<64x128xf32>
    %slice3A_21 = vector.extract_strided_slice %get3A_11 {offsets = [0, 1280], sizes = [64, 128], strides = [1, 1]} : vector<64x32000xf32> to vector<64x128xf32>
    %slice3A_22 = vector.extract_strided_slice %get3A_11 {offsets = [0, 1408], sizes = [64, 128], strides = [1, 1]} : vector<64x32000xf32> to vector<64x128xf32>
    %slice3A_23 = vector.extract_strided_slice %get3A_11 {offsets = [0, 1536], sizes = [64, 128], strides = [1, 1]} : vector<64x32000xf32> to vector<64x128xf32>
    %slice3A_24 = vector.extract_strided_slice %get3A_11 {offsets = [0, 1664], sizes = [64, 128], strides = [1, 1]} : vector<64x32000xf32> to vector<64x128xf32>
    %slice3A_25 = vector.extract_strided_slice %get3A_11 {offsets = [0, 1792], sizes = [64, 128], strides = [1, 1]} : vector<64x32000xf32> to vector<64x128xf32>
    %slice3A_26 = vector.extract_strided_slice %get3A_11 {offsets = [0, 1920], sizes = [64, 128], strides = [1, 1]} : vector<64x32000xf32> to vector<64x128xf32>
    %slice3A_27 = vector.extract_strided_slice %get3A_11 {offsets = [0, 2048], sizes = [64, 128], strides = [1, 1]} : vector<64x32000xf32> to vector<64x128xf32>
    %slice3A_28 = vector.extract_strided_slice %get3A_11 {offsets = [0, 2176], sizes = [64, 128], strides = [1, 1]} : vector<64x32000xf32> to vector<64x128xf32>
    %slice3A_29 = vector.extract_strided_slice %get3A_11 {offsets = [0, 2304], sizes = [64, 128], strides = [1, 1]} : vector<64x32000xf32> to vector<64x128xf32>
    %slice3A_30 = vector.extract_strided_slice %get3A_11 {offsets = [0, 2432], sizes = [64, 128], strides = [1, 1]} : vector<64x32000xf32> to vector<64x128xf32>
    %slice3A_31 = vector.extract_strided_slice %get3A_11 {offsets = [0, 2560], sizes = [64, 128], strides = [1, 1]} : vector<64x32000xf32> to vector<64x128xf32>
    %slice3A_32 = vector.extract_strided_slice %get3A_11 {offsets = [0, 2688], sizes = [64, 128], strides = [1, 1]} : vector<64x32000xf32> to vector<64x128xf32>
    %slice3A_33 = vector.extract_strided_slice %get3A_11 {offsets = [0, 2816], sizes = [64, 128], strides = [1, 1]} : vector<64x32000xf32> to vector<64x128xf32>
    %slice3A_34 = vector.extract_strided_slice %get3A_11 {offsets = [0, 2944], sizes = [64, 128], strides = [1, 1]} : vector<64x32000xf32> to vector<64x128xf32>
    %slice3A_35 = vector.extract_strided_slice %get3A_11 {offsets = [0, 3072], sizes = [64, 128], strides = [1, 1]} : vector<64x32000xf32> to vector<64x128xf32>
    %slice3A_36 = vector.extract_strided_slice %get3A_11 {offsets = [0, 3200], sizes = [64, 128], strides = [1, 1]} : vector<64x32000xf32> to vector<64x128xf32>
    %slice3A_37 = vector.extract_strided_slice %get3A_11 {offsets = [0, 3328], sizes = [64, 128], strides = [1, 1]} : vector<64x32000xf32> to vector<64x128xf32>
    %slice3A_38 = vector.extract_strided_slice %get3A_11 {offsets = [0, 3456], sizes = [64, 128], strides = [1, 1]} : vector<64x32000xf32> to vector<64x128xf32>
    %slice3A_39 = vector.extract_strided_slice %get3A_11 {offsets = [0, 3584], sizes = [64, 128], strides = [1, 1]} : vector<64x32000xf32> to vector<64x128xf32>
    %slice3A_40 = vector.extract_strided_slice %get3A_11 {offsets = [0, 3712], sizes = [64, 128], strides = [1, 1]} : vector<64x32000xf32> to vector<64x128xf32>
    %slice3A_41 = vector.extract_strided_slice %get3A_11 {offsets = [0, 3840], sizes = [64, 128], strides = [1, 1]} : vector<64x32000xf32> to vector<64x128xf32>
    %slice3A_42 = vector.extract_strided_slice %get3A_11 {offsets = [0, 3968], sizes = [64, 128], strides = [1, 1]} : vector<64x32000xf32> to vector<64x128xf32>
    %slice3A_43 = vector.extract_strided_slice %get3A_11 {offsets = [0, 4096], sizes = [64, 128], strides = [1, 1]} : vector<64x32000xf32> to vector<64x128xf32>
    %slice3A_44 = vector.extract_strided_slice %get3A_11 {offsets = [0, 4224], sizes = [64, 128], strides = [1, 1]} : vector<64x32000xf32> to vector<64x128xf32>
    %slice3A_45 = vector.extract_strided_slice %get3A_11 {offsets = [0, 4352], sizes = [64, 128], strides = [1, 1]} : vector<64x32000xf32> to vector<64x128xf32>
    %slice3A_46 = vector.extract_strided_slice %get3A_11 {offsets = [0, 4480], sizes = [64, 128], strides = [1, 1]} : vector<64x32000xf32> to vector<64x128xf32>
    %slice3A_47 = vector.extract_strided_slice %get3A_11 {offsets = [0, 4608], sizes = [64, 128], strides = [1, 1]} : vector<64x32000xf32> to vector<64x128xf32>
    %slice3A_48 = vector.extract_strided_slice %get3A_11 {offsets = [0, 4736], sizes = [64, 128], strides = [1, 1]} : vector<64x32000xf32> to vector<64x128xf32>
    %slice3A_49 = vector.extract_strided_slice %get3A_11 {offsets = [0, 4864], sizes = [64, 128], strides = [1, 1]} : vector<64x32000xf32> to vector<64x128xf32>
    %slice3A_50 = vector.extract_strided_slice %get3A_11 {offsets = [0, 4992], sizes = [64, 128], strides = [1, 1]} : vector<64x32000xf32> to vector<64x128xf32>
    %slice3A_51 = vector.extract_strided_slice %get3A_11 {offsets = [0, 5120], sizes = [64, 128], strides = [1, 1]} : vector<64x32000xf32> to vector<64x128xf32>
    %slice3A_52 = vector.extract_strided_slice %get3A_11 {offsets = [0, 5248], sizes = [64, 128], strides = [1, 1]} : vector<64x32000xf32> to vector<64x128xf32>
    %slice3A_53 = vector.extract_strided_slice %get3A_11 {offsets = [0, 5376], sizes = [64, 128], strides = [1, 1]} : vector<64x32000xf32> to vector<64x128xf32>
    %slice3A_54 = vector.extract_strided_slice %get3A_11 {offsets = [0, 5504], sizes = [64, 128], strides = [1, 1]} : vector<64x32000xf32> to vector<64x128xf32>
    %slice3A_55 = vector.extract_strided_slice %get3A_11 {offsets = [0, 5632], sizes = [64, 128], strides = [1, 1]} : vector<64x32000xf32> to vector<64x128xf32>
    %slice3A_56 = vector.extract_strided_slice %get3A_11 {offsets = [0, 5760], sizes = [64, 128], strides = [1, 1]} : vector<64x32000xf32> to vector<64x128xf32>
    %slice3A_57 = vector.extract_strided_slice %get3A_11 {offsets = [0, 5888], sizes = [64, 128], strides = [1, 1]} : vector<64x32000xf32> to vector<64x128xf32>
    %slice3A_58 = vector.extract_strided_slice %get3A_11 {offsets = [0, 6016], sizes = [64, 128], strides = [1, 1]} : vector<64x32000xf32> to vector<64x128xf32>
    %slice3A_59 = vector.extract_strided_slice %get3A_11 {offsets = [0, 6144], sizes = [64, 128], strides = [1, 1]} : vector<64x32000xf32> to vector<64x128xf32>
    %slice3A_60 = vector.extract_strided_slice %get3A_11 {offsets = [0, 6272], sizes = [64, 128], strides = [1, 1]} : vector<64x32000xf32> to vector<64x128xf32>
    %slice3A_61 = vector.extract_strided_slice %get3A_11 {offsets = [0, 6400], sizes = [64, 128], strides = [1, 1]} : vector<64x32000xf32> to vector<64x128xf32>
    %slice3A_62 = vector.extract_strided_slice %get3A_11 {offsets = [0, 6528], sizes = [64, 128], strides = [1, 1]} : vector<64x32000xf32> to vector<64x128xf32>
    %slice3A_63 = vector.extract_strided_slice %get3A_11 {offsets = [0, 6656], sizes = [64, 128], strides = [1, 1]} : vector<64x32000xf32> to vector<64x128xf32>
    %slice3A_64 = vector.extract_strided_slice %get3A_11 {offsets = [0, 6784], sizes = [64, 128], strides = [1, 1]} : vector<64x32000xf32> to vector<64x128xf32>
    %slice3A_65 = vector.extract_strided_slice %get3A_11 {offsets = [0, 6912], sizes = [64, 128], strides = [1, 1]} : vector<64x32000xf32> to vector<64x128xf32>
    %slice3A_66 = vector.extract_strided_slice %get3A_11 {offsets = [0, 7040], sizes = [64, 128], strides = [1, 1]} : vector<64x32000xf32> to vector<64x128xf32>
    %slice3A_67 = vector.extract_strided_slice %get3A_11 {offsets = [0, 7168], sizes = [64, 128], strides = [1, 1]} : vector<64x32000xf32> to vector<64x128xf32>
    %slice3A_68 = vector.extract_strided_slice %get3A_11 {offsets = [0, 7296], sizes = [64, 128], strides = [1, 1]} : vector<64x32000xf32> to vector<64x128xf32>
    %slice3A_69 = vector.extract_strided_slice %get3A_11 {offsets = [0, 7424], sizes = [64, 128], strides = [1, 1]} : vector<64x32000xf32> to vector<64x128xf32>
    %slice3A_70 = vector.extract_strided_slice %get3A_11 {offsets = [0, 7552], sizes = [64, 128], strides = [1, 1]} : vector<64x32000xf32> to vector<64x128xf32>
    %slice3A_71 = vector.extract_strided_slice %get3A_11 {offsets = [0, 7680], sizes = [64, 128], strides = [1, 1]} : vector<64x32000xf32> to vector<64x128xf32>
    %slice3A_72 = vector.extract_strided_slice %get3A_11 {offsets = [0, 7808], sizes = [64, 128], strides = [1, 1]} : vector<64x32000xf32> to vector<64x128xf32>
    %slice3A_73 = vector.extract_strided_slice %get3A_11 {offsets = [0, 7936], sizes = [64, 128], strides = [1, 1]} : vector<64x32000xf32> to vector<64x128xf32>
    %slice3A_74 = vector.extract_strided_slice %get3A_11 {offsets = [0, 8064], sizes = [64, 128], strides = [1, 1]} : vector<64x32000xf32> to vector<64x128xf32>
    %slice3A_75 = vector.extract_strided_slice %get3A_11 {offsets = [0, 8192], sizes = [64, 128], strides = [1, 1]} : vector<64x32000xf32> to vector<64x128xf32>
    %slice3A_76 = vector.extract_strided_slice %get3A_11 {offsets = [0, 8320], sizes = [64, 128], strides = [1, 1]} : vector<64x32000xf32> to vector<64x128xf32>
    %slice3A_77 = vector.extract_strided_slice %get3A_11 {offsets = [0, 8448], sizes = [64, 128], strides = [1, 1]} : vector<64x32000xf32> to vector<64x128xf32>
    %slice3A_78 = vector.extract_strided_slice %get3A_11 {offsets = [0, 8576], sizes = [64, 128], strides = [1, 1]} : vector<64x32000xf32> to vector<64x128xf32>
    %slice3A_79 = vector.extract_strided_slice %get3A_11 {offsets = [0, 8704], sizes = [64, 128], strides = [1, 1]} : vector<64x32000xf32> to vector<64x128xf32>
    %slice3A_80 = vector.extract_strided_slice %get3A_11 {offsets = [0, 8832], sizes = [64, 128], strides = [1, 1]} : vector<64x32000xf32> to vector<64x128xf32>
    %slice3A_81 = vector.extract_strided_slice %get3A_11 {offsets = [0, 8960], sizes = [64, 128], strides = [1, 1]} : vector<64x32000xf32> to vector<64x128xf32>
    %slice3A_82 = vector.extract_strided_slice %get3A_11 {offsets = [0, 9088], sizes = [64, 128], strides = [1, 1]} : vector<64x32000xf32> to vector<64x128xf32>
    %slice3A_83 = vector.extract_strided_slice %get3A_11 {offsets = [0, 9216], sizes = [64, 128], strides = [1, 1]} : vector<64x32000xf32> to vector<64x128xf32>
    %slice3A_84 = vector.extract_strided_slice %get3A_11 {offsets = [0, 9344], sizes = [64, 128], strides = [1, 1]} : vector<64x32000xf32> to vector<64x128xf32>
    %slice3A_85 = vector.extract_strided_slice %get3A_11 {offsets = [0, 9472], sizes = [64, 128], strides = [1, 1]} : vector<64x32000xf32> to vector<64x128xf32>
    %slice3A_86 = vector.extract_strided_slice %get3A_11 {offsets = [0, 9600], sizes = [64, 128], strides = [1, 1]} : vector<64x32000xf32> to vector<64x128xf32>
    %slice3A_87 = vector.extract_strided_slice %get3A_11 {offsets = [0, 9728], sizes = [64, 128], strides = [1, 1]} : vector<64x32000xf32> to vector<64x128xf32>
    %slice3A_88 = vector.extract_strided_slice %get3A_11 {offsets = [0, 9856], sizes = [64, 128], strides = [1, 1]} : vector<64x32000xf32> to vector<64x128xf32>
    %slice3A_89 = vector.extract_strided_slice %get3A_11 {offsets = [0, 9984], sizes = [64, 128], strides = [1, 1]} : vector<64x32000xf32> to vector<64x128xf32>
    %slice3A_90 = vector.extract_strided_slice %get3A_11 {offsets = [0, 10112], sizes = [64, 128], strides = [1, 1]} : vector<64x32000xf32> to vector<64x128xf32>
    %slice3A_91 = vector.extract_strided_slice %get3A_11 {offsets = [0, 10240], sizes = [64, 128], strides = [1, 1]} : vector<64x32000xf32> to vector<64x128xf32>
    %slice3A_92 = vector.extract_strided_slice %get3A_11 {offsets = [0, 10368], sizes = [64, 128], strides = [1, 1]} : vector<64x32000xf32> to vector<64x128xf32>
    %slice3A_93 = vector.extract_strided_slice %get3A_11 {offsets = [0, 10496], sizes = [64, 128], strides = [1, 1]} : vector<64x32000xf32> to vector<64x128xf32>
    %slice3A_94 = vector.extract_strided_slice %get3A_11 {offsets = [0, 10624], sizes = [64, 128], strides = [1, 1]} : vector<64x32000xf32> to vector<64x128xf32>
    %slice3A_95 = vector.extract_strided_slice %get3A_11 {offsets = [0, 10752], sizes = [64, 128], strides = [1, 1]} : vector<64x32000xf32> to vector<64x128xf32>
    %slice3A_96 = vector.extract_strided_slice %get3A_11 {offsets = [0, 10880], sizes = [64, 128], strides = [1, 1]} : vector<64x32000xf32> to vector<64x128xf32>
    %slice3A_97 = vector.extract_strided_slice %get3A_11 {offsets = [0, 11008], sizes = [64, 128], strides = [1, 1]} : vector<64x32000xf32> to vector<64x128xf32>
    %slice3A_98 = vector.extract_strided_slice %get3A_11 {offsets = [0, 11136], sizes = [64, 128], strides = [1, 1]} : vector<64x32000xf32> to vector<64x128xf32>
    %slice3A_99 = vector.extract_strided_slice %get3A_11 {offsets = [0, 11264], sizes = [64, 128], strides = [1, 1]} : vector<64x32000xf32> to vector<64x128xf32>
    %slice3A_100 = vector.extract_strided_slice %get3A_11 {offsets = [0, 11392], sizes = [64, 128], strides = [1, 1]} : vector<64x32000xf32> to vector<64x128xf32>
    %slice3A_101 = vector.extract_strided_slice %get3A_11 {offsets = [0, 11520], sizes = [64, 128], strides = [1, 1]} : vector<64x32000xf32> to vector<64x128xf32>
    %slice3A_102 = vector.extract_strided_slice %get3A_11 {offsets = [0, 11648], sizes = [64, 128], strides = [1, 1]} : vector<64x32000xf32> to vector<64x128xf32>
    %slice3A_103 = vector.extract_strided_slice %get3A_11 {offsets = [0, 11776], sizes = [64, 128], strides = [1, 1]} : vector<64x32000xf32> to vector<64x128xf32>
    %slice3A_104 = vector.extract_strided_slice %get3A_11 {offsets = [0, 11904], sizes = [64, 128], strides = [1, 1]} : vector<64x32000xf32> to vector<64x128xf32>
    %slice3A_105 = vector.extract_strided_slice %get3A_11 {offsets = [0, 12032], sizes = [64, 128], strides = [1, 1]} : vector<64x32000xf32> to vector<64x128xf32>
    %slice3A_106 = vector.extract_strided_slice %get3A_11 {offsets = [0, 12160], sizes = [64, 128], strides = [1, 1]} : vector<64x32000xf32> to vector<64x128xf32>
    %slice3A_107 = vector.extract_strided_slice %get3A_11 {offsets = [0, 12288], sizes = [64, 128], strides = [1, 1]} : vector<64x32000xf32> to vector<64x128xf32>
    %slice3A_108 = vector.extract_strided_slice %get3A_11 {offsets = [0, 12416], sizes = [64, 128], strides = [1, 1]} : vector<64x32000xf32> to vector<64x128xf32>
    %slice3A_109 = vector.extract_strided_slice %get3A_11 {offsets = [0, 12544], sizes = [64, 128], strides = [1, 1]} : vector<64x32000xf32> to vector<64x128xf32>
    %slice3A_110 = vector.extract_strided_slice %get3A_11 {offsets = [0, 12672], sizes = [64, 128], strides = [1, 1]} : vector<64x32000xf32> to vector<64x128xf32>
    %slice3A_111 = vector.extract_strided_slice %get3A_11 {offsets = [0, 12800], sizes = [64, 128], strides = [1, 1]} : vector<64x32000xf32> to vector<64x128xf32>
    %slice3A_112 = vector.extract_strided_slice %get3A_11 {offsets = [0, 12928], sizes = [64, 128], strides = [1, 1]} : vector<64x32000xf32> to vector<64x128xf32>
    %slice3A_113 = vector.extract_strided_slice %get3A_11 {offsets = [0, 13056], sizes = [64, 128], strides = [1, 1]} : vector<64x32000xf32> to vector<64x128xf32>
    %slice3A_114 = vector.extract_strided_slice %get3A_11 {offsets = [0, 13184], sizes = [64, 128], strides = [1, 1]} : vector<64x32000xf32> to vector<64x128xf32>
    %slice3A_115 = vector.extract_strided_slice %get3A_11 {offsets = [0, 13312], sizes = [64, 128], strides = [1, 1]} : vector<64x32000xf32> to vector<64x128xf32>
    %slice3A_116 = vector.extract_strided_slice %get3A_11 {offsets = [0, 13440], sizes = [64, 128], strides = [1, 1]} : vector<64x32000xf32> to vector<64x128xf32>
    %slice3A_117 = vector.extract_strided_slice %get3A_11 {offsets = [0, 13568], sizes = [64, 128], strides = [1, 1]} : vector<64x32000xf32> to vector<64x128xf32>
    %slice3A_118 = vector.extract_strided_slice %get3A_11 {offsets = [0, 13696], sizes = [64, 128], strides = [1, 1]} : vector<64x32000xf32> to vector<64x128xf32>
    %slice3A_119 = vector.extract_strided_slice %get3A_11 {offsets = [0, 13824], sizes = [64, 128], strides = [1, 1]} : vector<64x32000xf32> to vector<64x128xf32>
    %slice3A_120 = vector.extract_strided_slice %get3A_11 {offsets = [0, 13952], sizes = [64, 128], strides = [1, 1]} : vector<64x32000xf32> to vector<64x128xf32>
    %slice3A_121 = vector.extract_strided_slice %get3A_11 {offsets = [0, 14080], sizes = [64, 128], strides = [1, 1]} : vector<64x32000xf32> to vector<64x128xf32>
    %slice3A_122 = vector.extract_strided_slice %get3A_11 {offsets = [0, 14208], sizes = [64, 128], strides = [1, 1]} : vector<64x32000xf32> to vector<64x128xf32>
    %slice3A_123 = vector.extract_strided_slice %get3A_11 {offsets = [0, 14336], sizes = [64, 128], strides = [1, 1]} : vector<64x32000xf32> to vector<64x128xf32>
    %slice3A_124 = vector.extract_strided_slice %get3A_11 {offsets = [0, 14464], sizes = [64, 128], strides = [1, 1]} : vector<64x32000xf32> to vector<64x128xf32>
    %slice3A_125 = vector.extract_strided_slice %get3A_11 {offsets = [0, 14592], sizes = [64, 128], strides = [1, 1]} : vector<64x32000xf32> to vector<64x128xf32>
    %slice3A_126 = vector.extract_strided_slice %get3A_11 {offsets = [0, 14720], sizes = [64, 128], strides = [1, 1]} : vector<64x32000xf32> to vector<64x128xf32>
    %slice3A_127 = vector.extract_strided_slice %get3A_11 {offsets = [0, 14848], sizes = [64, 128], strides = [1, 1]} : vector<64x32000xf32> to vector<64x128xf32>
    %slice3A_128 = vector.extract_strided_slice %get3A_11 {offsets = [0, 14976], sizes = [64, 128], strides = [1, 1]} : vector<64x32000xf32> to vector<64x128xf32>
    %slice3A_129 = vector.extract_strided_slice %get3A_11 {offsets = [0, 15104], sizes = [64, 128], strides = [1, 1]} : vector<64x32000xf32> to vector<64x128xf32>
    %slice3A_130 = vector.extract_strided_slice %get3A_11 {offsets = [0, 15232], sizes = [64, 128], strides = [1, 1]} : vector<64x32000xf32> to vector<64x128xf32>
    %slice3A_131 = vector.extract_strided_slice %get3A_11 {offsets = [0, 15360], sizes = [64, 128], strides = [1, 1]} : vector<64x32000xf32> to vector<64x128xf32>
    %slice3A_132 = vector.extract_strided_slice %get3A_11 {offsets = [0, 15488], sizes = [64, 128], strides = [1, 1]} : vector<64x32000xf32> to vector<64x128xf32>
    %slice3A_133 = vector.extract_strided_slice %get3A_11 {offsets = [0, 15616], sizes = [64, 128], strides = [1, 1]} : vector<64x32000xf32> to vector<64x128xf32>
    %slice3A_134 = vector.extract_strided_slice %get3A_11 {offsets = [0, 15744], sizes = [64, 128], strides = [1, 1]} : vector<64x32000xf32> to vector<64x128xf32>
    %slice3A_135 = vector.extract_strided_slice %get3A_11 {offsets = [0, 15872], sizes = [64, 128], strides = [1, 1]} : vector<64x32000xf32> to vector<64x128xf32>
    %slice3A_136 = vector.extract_strided_slice %get3A_11 {offsets = [0, 16000], sizes = [64, 128], strides = [1, 1]} : vector<64x32000xf32> to vector<64x128xf32>
    %slice3A_137 = vector.extract_strided_slice %get3A_11 {offsets = [0, 16128], sizes = [64, 128], strides = [1, 1]} : vector<64x32000xf32> to vector<64x128xf32>
    %slice3A_138 = vector.extract_strided_slice %get3A_11 {offsets = [0, 16256], sizes = [64, 128], strides = [1, 1]} : vector<64x32000xf32> to vector<64x128xf32>
    %slice3A_139 = vector.extract_strided_slice %get3A_11 {offsets = [0, 16384], sizes = [64, 128], strides = [1, 1]} : vector<64x32000xf32> to vector<64x128xf32>
    %slice3A_140 = vector.extract_strided_slice %get3A_11 {offsets = [0, 16512], sizes = [64, 128], strides = [1, 1]} : vector<64x32000xf32> to vector<64x128xf32>
    %slice3A_141 = vector.extract_strided_slice %get3A_11 {offsets = [0, 16640], sizes = [64, 128], strides = [1, 1]} : vector<64x32000xf32> to vector<64x128xf32>
    %slice3A_142 = vector.extract_strided_slice %get3A_11 {offsets = [0, 16768], sizes = [64, 128], strides = [1, 1]} : vector<64x32000xf32> to vector<64x128xf32>
    %slice3A_143 = vector.extract_strided_slice %get3A_11 {offsets = [0, 16896], sizes = [64, 128], strides = [1, 1]} : vector<64x32000xf32> to vector<64x128xf32>
    %slice3A_144 = vector.extract_strided_slice %get3A_11 {offsets = [0, 17024], sizes = [64, 128], strides = [1, 1]} : vector<64x32000xf32> to vector<64x128xf32>
    %slice3A_145 = vector.extract_strided_slice %get3A_11 {offsets = [0, 17152], sizes = [64, 128], strides = [1, 1]} : vector<64x32000xf32> to vector<64x128xf32>
    %slice3A_146 = vector.extract_strided_slice %get3A_11 {offsets = [0, 17280], sizes = [64, 128], strides = [1, 1]} : vector<64x32000xf32> to vector<64x128xf32>
    %slice3A_147 = vector.extract_strided_slice %get3A_11 {offsets = [0, 17408], sizes = [64, 128], strides = [1, 1]} : vector<64x32000xf32> to vector<64x128xf32>
    %slice3A_148 = vector.extract_strided_slice %get3A_11 {offsets = [0, 17536], sizes = [64, 128], strides = [1, 1]} : vector<64x32000xf32> to vector<64x128xf32>
    %slice3A_149 = vector.extract_strided_slice %get3A_11 {offsets = [0, 17664], sizes = [64, 128], strides = [1, 1]} : vector<64x32000xf32> to vector<64x128xf32>
    %slice3A_150 = vector.extract_strided_slice %get3A_11 {offsets = [0, 17792], sizes = [64, 128], strides = [1, 1]} : vector<64x32000xf32> to vector<64x128xf32>
    %slice3A_151 = vector.extract_strided_slice %get3A_11 {offsets = [0, 17920], sizes = [64, 128], strides = [1, 1]} : vector<64x32000xf32> to vector<64x128xf32>
    %slice3A_152 = vector.extract_strided_slice %get3A_11 {offsets = [0, 18048], sizes = [64, 128], strides = [1, 1]} : vector<64x32000xf32> to vector<64x128xf32>
    %slice3A_153 = vector.extract_strided_slice %get3A_11 {offsets = [0, 18176], sizes = [64, 128], strides = [1, 1]} : vector<64x32000xf32> to vector<64x128xf32>
    %slice3A_154 = vector.extract_strided_slice %get3A_11 {offsets = [0, 18304], sizes = [64, 128], strides = [1, 1]} : vector<64x32000xf32> to vector<64x128xf32>
    %slice3A_155 = vector.extract_strided_slice %get3A_11 {offsets = [0, 18432], sizes = [64, 128], strides = [1, 1]} : vector<64x32000xf32> to vector<64x128xf32>
    %slice3A_156 = vector.extract_strided_slice %get3A_11 {offsets = [0, 18560], sizes = [64, 128], strides = [1, 1]} : vector<64x32000xf32> to vector<64x128xf32>
    %slice3A_157 = vector.extract_strided_slice %get3A_11 {offsets = [0, 18688], sizes = [64, 128], strides = [1, 1]} : vector<64x32000xf32> to vector<64x128xf32>
    %slice3A_158 = vector.extract_strided_slice %get3A_11 {offsets = [0, 18816], sizes = [64, 128], strides = [1, 1]} : vector<64x32000xf32> to vector<64x128xf32>
    %slice3A_159 = vector.extract_strided_slice %get3A_11 {offsets = [0, 18944], sizes = [64, 128], strides = [1, 1]} : vector<64x32000xf32> to vector<64x128xf32>
    %slice3A_160 = vector.extract_strided_slice %get3A_11 {offsets = [0, 19072], sizes = [64, 128], strides = [1, 1]} : vector<64x32000xf32> to vector<64x128xf32>
    %slice3A_161 = vector.extract_strided_slice %get3A_11 {offsets = [0, 19200], sizes = [64, 128], strides = [1, 1]} : vector<64x32000xf32> to vector<64x128xf32>
    %slice3A_162 = vector.extract_strided_slice %get3A_11 {offsets = [0, 19328], sizes = [64, 128], strides = [1, 1]} : vector<64x32000xf32> to vector<64x128xf32>
    %slice3A_163 = vector.extract_strided_slice %get3A_11 {offsets = [0, 19456], sizes = [64, 128], strides = [1, 1]} : vector<64x32000xf32> to vector<64x128xf32>
    %slice3A_164 = vector.extract_strided_slice %get3A_11 {offsets = [0, 19584], sizes = [64, 128], strides = [1, 1]} : vector<64x32000xf32> to vector<64x128xf32>
    %slice3A_165 = vector.extract_strided_slice %get3A_11 {offsets = [0, 19712], sizes = [64, 128], strides = [1, 1]} : vector<64x32000xf32> to vector<64x128xf32>
    %slice3A_166 = vector.extract_strided_slice %get3A_11 {offsets = [0, 19840], sizes = [64, 128], strides = [1, 1]} : vector<64x32000xf32> to vector<64x128xf32>
    %slice3A_167 = vector.extract_strided_slice %get3A_11 {offsets = [0, 19968], sizes = [64, 128], strides = [1, 1]} : vector<64x32000xf32> to vector<64x128xf32>
    %slice3A_168 = vector.extract_strided_slice %get3A_11 {offsets = [0, 20096], sizes = [64, 128], strides = [1, 1]} : vector<64x32000xf32> to vector<64x128xf32>
    %slice3A_169 = vector.extract_strided_slice %get3A_11 {offsets = [0, 20224], sizes = [64, 128], strides = [1, 1]} : vector<64x32000xf32> to vector<64x128xf32>
    %slice3A_170 = vector.extract_strided_slice %get3A_11 {offsets = [0, 20352], sizes = [64, 128], strides = [1, 1]} : vector<64x32000xf32> to vector<64x128xf32>
    %slice3A_171 = vector.extract_strided_slice %get3A_11 {offsets = [0, 20480], sizes = [64, 128], strides = [1, 1]} : vector<64x32000xf32> to vector<64x128xf32>
    %slice3A_172 = vector.extract_strided_slice %get3A_11 {offsets = [0, 20608], sizes = [64, 128], strides = [1, 1]} : vector<64x32000xf32> to vector<64x128xf32>
    %slice3A_173 = vector.extract_strided_slice %get3A_11 {offsets = [0, 20736], sizes = [64, 128], strides = [1, 1]} : vector<64x32000xf32> to vector<64x128xf32>
    %slice3A_174 = vector.extract_strided_slice %get3A_11 {offsets = [0, 20864], sizes = [64, 128], strides = [1, 1]} : vector<64x32000xf32> to vector<64x128xf32>
    %slice3A_175 = vector.extract_strided_slice %get3A_11 {offsets = [0, 20992], sizes = [64, 128], strides = [1, 1]} : vector<64x32000xf32> to vector<64x128xf32>
    %slice3A_176 = vector.extract_strided_slice %get3A_11 {offsets = [0, 21120], sizes = [64, 128], strides = [1, 1]} : vector<64x32000xf32> to vector<64x128xf32>
    %slice3A_177 = vector.extract_strided_slice %get3A_11 {offsets = [0, 21248], sizes = [64, 128], strides = [1, 1]} : vector<64x32000xf32> to vector<64x128xf32>
    %slice3A_178 = vector.extract_strided_slice %get3A_11 {offsets = [0, 21376], sizes = [64, 128], strides = [1, 1]} : vector<64x32000xf32> to vector<64x128xf32>
    %slice3A_179 = vector.extract_strided_slice %get3A_11 {offsets = [0, 21504], sizes = [64, 128], strides = [1, 1]} : vector<64x32000xf32> to vector<64x128xf32>
    %slice3A_180 = vector.extract_strided_slice %get3A_11 {offsets = [0, 21632], sizes = [64, 128], strides = [1, 1]} : vector<64x32000xf32> to vector<64x128xf32>
    %slice3A_181 = vector.extract_strided_slice %get3A_11 {offsets = [0, 21760], sizes = [64, 128], strides = [1, 1]} : vector<64x32000xf32> to vector<64x128xf32>
    %slice3A_182 = vector.extract_strided_slice %get3A_11 {offsets = [0, 21888], sizes = [64, 128], strides = [1, 1]} : vector<64x32000xf32> to vector<64x128xf32>
    %slice3A_183 = vector.extract_strided_slice %get3A_11 {offsets = [0, 22016], sizes = [64, 128], strides = [1, 1]} : vector<64x32000xf32> to vector<64x128xf32>
    %slice3A_184 = vector.extract_strided_slice %get3A_11 {offsets = [0, 22144], sizes = [64, 128], strides = [1, 1]} : vector<64x32000xf32> to vector<64x128xf32>
    %slice3A_185 = vector.extract_strided_slice %get3A_11 {offsets = [0, 22272], sizes = [64, 128], strides = [1, 1]} : vector<64x32000xf32> to vector<64x128xf32>
    %slice3A_186 = vector.extract_strided_slice %get3A_11 {offsets = [0, 22400], sizes = [64, 128], strides = [1, 1]} : vector<64x32000xf32> to vector<64x128xf32>
    %slice3A_187 = vector.extract_strided_slice %get3A_11 {offsets = [0, 22528], sizes = [64, 128], strides = [1, 1]} : vector<64x32000xf32> to vector<64x128xf32>
    %slice3A_188 = vector.extract_strided_slice %get3A_11 {offsets = [0, 22656], sizes = [64, 128], strides = [1, 1]} : vector<64x32000xf32> to vector<64x128xf32>
    %slice3A_189 = vector.extract_strided_slice %get3A_11 {offsets = [0, 22784], sizes = [64, 128], strides = [1, 1]} : vector<64x32000xf32> to vector<64x128xf32>
    %slice3A_190 = vector.extract_strided_slice %get3A_11 {offsets = [0, 22912], sizes = [64, 128], strides = [1, 1]} : vector<64x32000xf32> to vector<64x128xf32>
    %slice3A_191 = vector.extract_strided_slice %get3A_11 {offsets = [0, 23040], sizes = [64, 128], strides = [1, 1]} : vector<64x32000xf32> to vector<64x128xf32>
    %slice3A_192 = vector.extract_strided_slice %get3A_11 {offsets = [0, 23168], sizes = [64, 128], strides = [1, 1]} : vector<64x32000xf32> to vector<64x128xf32>
    %slice3A_193 = vector.extract_strided_slice %get3A_11 {offsets = [0, 23296], sizes = [64, 128], strides = [1, 1]} : vector<64x32000xf32> to vector<64x128xf32>
    %slice3A_194 = vector.extract_strided_slice %get3A_11 {offsets = [0, 23424], sizes = [64, 128], strides = [1, 1]} : vector<64x32000xf32> to vector<64x128xf32>
    %slice3A_195 = vector.extract_strided_slice %get3A_11 {offsets = [0, 23552], sizes = [64, 128], strides = [1, 1]} : vector<64x32000xf32> to vector<64x128xf32>
    %slice3A_196 = vector.extract_strided_slice %get3A_11 {offsets = [0, 23680], sizes = [64, 128], strides = [1, 1]} : vector<64x32000xf32> to vector<64x128xf32>
    %slice3A_197 = vector.extract_strided_slice %get3A_11 {offsets = [0, 23808], sizes = [64, 128], strides = [1, 1]} : vector<64x32000xf32> to vector<64x128xf32>
    %slice3A_198 = vector.extract_strided_slice %get3A_11 {offsets = [0, 23936], sizes = [64, 128], strides = [1, 1]} : vector<64x32000xf32> to vector<64x128xf32>
    %slice3A_199 = vector.extract_strided_slice %get3A_11 {offsets = [0, 24064], sizes = [64, 128], strides = [1, 1]} : vector<64x32000xf32> to vector<64x128xf32>
    %slice3A_200 = vector.extract_strided_slice %get3A_11 {offsets = [0, 24192], sizes = [64, 128], strides = [1, 1]} : vector<64x32000xf32> to vector<64x128xf32>
    %slice3A_201 = vector.extract_strided_slice %get3A_11 {offsets = [0, 24320], sizes = [64, 128], strides = [1, 1]} : vector<64x32000xf32> to vector<64x128xf32>
    %slice3A_202 = vector.extract_strided_slice %get3A_11 {offsets = [0, 24448], sizes = [64, 128], strides = [1, 1]} : vector<64x32000xf32> to vector<64x128xf32>
    %slice3A_203 = vector.extract_strided_slice %get3A_11 {offsets = [0, 24576], sizes = [64, 128], strides = [1, 1]} : vector<64x32000xf32> to vector<64x128xf32>
    %slice3A_204 = vector.extract_strided_slice %get3A_11 {offsets = [0, 24704], sizes = [64, 128], strides = [1, 1]} : vector<64x32000xf32> to vector<64x128xf32>
    %slice3A_205 = vector.extract_strided_slice %get3A_11 {offsets = [0, 24832], sizes = [64, 128], strides = [1, 1]} : vector<64x32000xf32> to vector<64x128xf32>
    %slice3A_206 = vector.extract_strided_slice %get3A_11 {offsets = [0, 24960], sizes = [64, 128], strides = [1, 1]} : vector<64x32000xf32> to vector<64x128xf32>
    %slice3A_207 = vector.extract_strided_slice %get3A_11 {offsets = [0, 25088], sizes = [64, 128], strides = [1, 1]} : vector<64x32000xf32> to vector<64x128xf32>
    %slice3A_208 = vector.extract_strided_slice %get3A_11 {offsets = [0, 25216], sizes = [64, 128], strides = [1, 1]} : vector<64x32000xf32> to vector<64x128xf32>
    %slice3A_209 = vector.extract_strided_slice %get3A_11 {offsets = [0, 25344], sizes = [64, 128], strides = [1, 1]} : vector<64x32000xf32> to vector<64x128xf32>
    %slice3A_210 = vector.extract_strided_slice %get3A_11 {offsets = [0, 25472], sizes = [64, 128], strides = [1, 1]} : vector<64x32000xf32> to vector<64x128xf32>
    %slice3A_211 = vector.extract_strided_slice %get3A_11 {offsets = [0, 25600], sizes = [64, 128], strides = [1, 1]} : vector<64x32000xf32> to vector<64x128xf32>
    %slice3A_212 = vector.extract_strided_slice %get3A_11 {offsets = [0, 25728], sizes = [64, 128], strides = [1, 1]} : vector<64x32000xf32> to vector<64x128xf32>
    %slice3A_213 = vector.extract_strided_slice %get3A_11 {offsets = [0, 25856], sizes = [64, 128], strides = [1, 1]} : vector<64x32000xf32> to vector<64x128xf32>
    %slice3A_214 = vector.extract_strided_slice %get3A_11 {offsets = [0, 25984], sizes = [64, 128], strides = [1, 1]} : vector<64x32000xf32> to vector<64x128xf32>
    %slice3A_215 = vector.extract_strided_slice %get3A_11 {offsets = [0, 26112], sizes = [64, 128], strides = [1, 1]} : vector<64x32000xf32> to vector<64x128xf32>
    %slice3A_216 = vector.extract_strided_slice %get3A_11 {offsets = [0, 26240], sizes = [64, 128], strides = [1, 1]} : vector<64x32000xf32> to vector<64x128xf32>
    %slice3A_217 = vector.extract_strided_slice %get3A_11 {offsets = [0, 26368], sizes = [64, 128], strides = [1, 1]} : vector<64x32000xf32> to vector<64x128xf32>
    %slice3A_218 = vector.extract_strided_slice %get3A_11 {offsets = [0, 26496], sizes = [64, 128], strides = [1, 1]} : vector<64x32000xf32> to vector<64x128xf32>
    %slice3A_219 = vector.extract_strided_slice %get3A_11 {offsets = [0, 26624], sizes = [64, 128], strides = [1, 1]} : vector<64x32000xf32> to vector<64x128xf32>
    %slice3A_220 = vector.extract_strided_slice %get3A_11 {offsets = [0, 26752], sizes = [64, 128], strides = [1, 1]} : vector<64x32000xf32> to vector<64x128xf32>
    %slice3A_221 = vector.extract_strided_slice %get3A_11 {offsets = [0, 26880], sizes = [64, 128], strides = [1, 1]} : vector<64x32000xf32> to vector<64x128xf32>
    %slice3A_222 = vector.extract_strided_slice %get3A_11 {offsets = [0, 27008], sizes = [64, 128], strides = [1, 1]} : vector<64x32000xf32> to vector<64x128xf32>
    %slice3A_223 = vector.extract_strided_slice %get3A_11 {offsets = [0, 27136], sizes = [64, 128], strides = [1, 1]} : vector<64x32000xf32> to vector<64x128xf32>
    %slice3A_224 = vector.extract_strided_slice %get3A_11 {offsets = [0, 27264], sizes = [64, 128], strides = [1, 1]} : vector<64x32000xf32> to vector<64x128xf32>
    %slice3A_225 = vector.extract_strided_slice %get3A_11 {offsets = [0, 27392], sizes = [64, 128], strides = [1, 1]} : vector<64x32000xf32> to vector<64x128xf32>
    %slice3A_226 = vector.extract_strided_slice %get3A_11 {offsets = [0, 27520], sizes = [64, 128], strides = [1, 1]} : vector<64x32000xf32> to vector<64x128xf32>
    %slice3A_227 = vector.extract_strided_slice %get3A_11 {offsets = [0, 27648], sizes = [64, 128], strides = [1, 1]} : vector<64x32000xf32> to vector<64x128xf32>
    %slice3A_228 = vector.extract_strided_slice %get3A_11 {offsets = [0, 27776], sizes = [64, 128], strides = [1, 1]} : vector<64x32000xf32> to vector<64x128xf32>
    %slice3A_229 = vector.extract_strided_slice %get3A_11 {offsets = [0, 27904], sizes = [64, 128], strides = [1, 1]} : vector<64x32000xf32> to vector<64x128xf32>
    %slice3A_230 = vector.extract_strided_slice %get3A_11 {offsets = [0, 28032], sizes = [64, 128], strides = [1, 1]} : vector<64x32000xf32> to vector<64x128xf32>
    %slice3A_231 = vector.extract_strided_slice %get3A_11 {offsets = [0, 28160], sizes = [64, 128], strides = [1, 1]} : vector<64x32000xf32> to vector<64x128xf32>
    %slice3A_232 = vector.extract_strided_slice %get3A_11 {offsets = [0, 28288], sizes = [64, 128], strides = [1, 1]} : vector<64x32000xf32> to vector<64x128xf32>
    %slice3A_233 = vector.extract_strided_slice %get3A_11 {offsets = [0, 28416], sizes = [64, 128], strides = [1, 1]} : vector<64x32000xf32> to vector<64x128xf32>
    %slice3A_234 = vector.extract_strided_slice %get3A_11 {offsets = [0, 28544], sizes = [64, 128], strides = [1, 1]} : vector<64x32000xf32> to vector<64x128xf32>
    %slice3A_235 = vector.extract_strided_slice %get3A_11 {offsets = [0, 28672], sizes = [64, 128], strides = [1, 1]} : vector<64x32000xf32> to vector<64x128xf32>
    %slice3A_236 = vector.extract_strided_slice %get3A_11 {offsets = [0, 28800], sizes = [64, 128], strides = [1, 1]} : vector<64x32000xf32> to vector<64x128xf32>
    %slice3A_237 = vector.extract_strided_slice %get3A_11 {offsets = [0, 28928], sizes = [64, 128], strides = [1, 1]} : vector<64x32000xf32> to vector<64x128xf32>
    %slice3A_238 = vector.extract_strided_slice %get3A_11 {offsets = [0, 29056], sizes = [64, 128], strides = [1, 1]} : vector<64x32000xf32> to vector<64x128xf32>
    %slice3A_239 = vector.extract_strided_slice %get3A_11 {offsets = [0, 29184], sizes = [64, 128], strides = [1, 1]} : vector<64x32000xf32> to vector<64x128xf32>
    %slice3A_240 = vector.extract_strided_slice %get3A_11 {offsets = [0, 29312], sizes = [64, 128], strides = [1, 1]} : vector<64x32000xf32> to vector<64x128xf32>
    %slice3A_241 = vector.extract_strided_slice %get3A_11 {offsets = [0, 29440], sizes = [64, 128], strides = [1, 1]} : vector<64x32000xf32> to vector<64x128xf32>
    %slice3A_242 = vector.extract_strided_slice %get3A_11 {offsets = [0, 29568], sizes = [64, 128], strides = [1, 1]} : vector<64x32000xf32> to vector<64x128xf32>
    %slice3A_243 = vector.extract_strided_slice %get3A_11 {offsets = [0, 29696], sizes = [64, 128], strides = [1, 1]} : vector<64x32000xf32> to vector<64x128xf32>
    %slice3A_244 = vector.extract_strided_slice %get3A_11 {offsets = [0, 29824], sizes = [64, 128], strides = [1, 1]} : vector<64x32000xf32> to vector<64x128xf32>
    %slice3A_245 = vector.extract_strided_slice %get3A_11 {offsets = [0, 29952], sizes = [64, 128], strides = [1, 1]} : vector<64x32000xf32> to vector<64x128xf32>
    %slice3A_246 = vector.extract_strided_slice %get3A_11 {offsets = [0, 30080], sizes = [64, 128], strides = [1, 1]} : vector<64x32000xf32> to vector<64x128xf32>
    %slice3A_247 = vector.extract_strided_slice %get3A_11 {offsets = [0, 30208], sizes = [64, 128], strides = [1, 1]} : vector<64x32000xf32> to vector<64x128xf32>
    %slice3A_248 = vector.extract_strided_slice %get3A_11 {offsets = [0, 30336], sizes = [64, 128], strides = [1, 1]} : vector<64x32000xf32> to vector<64x128xf32>
    %slice3A_249 = vector.extract_strided_slice %get3A_11 {offsets = [0, 30464], sizes = [64, 128], strides = [1, 1]} : vector<64x32000xf32> to vector<64x128xf32>
    %slice3A_250 = vector.extract_strided_slice %get3A_11 {offsets = [0, 30592], sizes = [64, 128], strides = [1, 1]} : vector<64x32000xf32> to vector<64x128xf32>
    %slice3A_251 = vector.extract_strided_slice %get3A_11 {offsets = [0, 30720], sizes = [64, 128], strides = [1, 1]} : vector<64x32000xf32> to vector<64x128xf32>
    %slice3A_252 = vector.extract_strided_slice %get3A_11 {offsets = [0, 30848], sizes = [64, 128], strides = [1, 1]} : vector<64x32000xf32> to vector<64x128xf32>
    %slice3A_253 = vector.extract_strided_slice %get3A_11 {offsets = [0, 30976], sizes = [64, 128], strides = [1, 1]} : vector<64x32000xf32> to vector<64x128xf32>
    %slice3A_254 = vector.extract_strided_slice %get3A_11 {offsets = [0, 31104], sizes = [64, 128], strides = [1, 1]} : vector<64x32000xf32> to vector<64x128xf32>
    %slice3A_255 = vector.extract_strided_slice %get3A_11 {offsets = [0, 31232], sizes = [64, 128], strides = [1, 1]} : vector<64x32000xf32> to vector<64x128xf32>
    %slice3A_256 = vector.extract_strided_slice %get3A_11 {offsets = [0, 31360], sizes = [64, 128], strides = [1, 1]} : vector<64x32000xf32> to vector<64x128xf32>
    %slice3A_257 = vector.extract_strided_slice %get3A_11 {offsets = [0, 31488], sizes = [64, 128], strides = [1, 1]} : vector<64x32000xf32> to vector<64x128xf32>
    %slice3A_258 = vector.extract_strided_slice %get3A_11 {offsets = [0, 31616], sizes = [64, 128], strides = [1, 1]} : vector<64x32000xf32> to vector<64x128xf32>
    %slice3A_259 = vector.extract_strided_slice %get3A_11 {offsets = [0, 31744], sizes = [64, 128], strides = [1, 1]} : vector<64x32000xf32> to vector<64x128xf32>
    %slice3A_260 = vector.extract_strided_slice %get3A_11 {offsets = [0, 31872], sizes = [64, 128], strides = [1, 1]} : vector<64x32000xf32> to vector<64x128xf32>
    %add3A = arith.addf %slice3A, %slice3A_12 : vector<64x128xf32>
    %add3A_261 = arith.addf %slice3A_13, %slice3A_14 : vector<64x128xf32>
    %add3A_262 = arith.addf %slice3A_15, %slice3A_16 : vector<64x128xf32>
    %add3A_263 = arith.addf %slice3A_17, %slice3A_18 : vector<64x128xf32>
    %add3A_264 = arith.addf %slice3A_19, %slice3A_20 : vector<64x128xf32>
    %add3A_265 = arith.addf %slice3A_21, %slice3A_22 : vector<64x128xf32>
    %add3A_266 = arith.addf %slice3A_23, %slice3A_24 : vector<64x128xf32>
    %add3A_267 = arith.addf %slice3A_25, %slice3A_26 : vector<64x128xf32>
    %add3A_268 = arith.addf %slice3A_27, %slice3A_28 : vector<64x128xf32>
    %add3A_269 = arith.addf %slice3A_29, %slice3A_30 : vector<64x128xf32>
    %add3A_270 = arith.addf %slice3A_31, %slice3A_32 : vector<64x128xf32>
    %add3A_271 = arith.addf %slice3A_33, %slice3A_34 : vector<64x128xf32>
    %add3A_272 = arith.addf %slice3A_35, %slice3A_36 : vector<64x128xf32>
    %add3A_273 = arith.addf %slice3A_37, %slice3A_38 : vector<64x128xf32>
    %add3A_274 = arith.addf %slice3A_39, %slice3A_40 : vector<64x128xf32>
    %add3A_275 = arith.addf %slice3A_41, %slice3A_42 : vector<64x128xf32>
    %add3A_276 = arith.addf %slice3A_43, %slice3A_44 : vector<64x128xf32>
    %add3A_277 = arith.addf %slice3A_45, %slice3A_46 : vector<64x128xf32>
    %add3A_278 = arith.addf %slice3A_47, %slice3A_48 : vector<64x128xf32>
    %add3A_279 = arith.addf %slice3A_49, %slice3A_50 : vector<64x128xf32>
    %add3A_280 = arith.addf %slice3A_51, %slice3A_52 : vector<64x128xf32>
    %add3A_281 = arith.addf %slice3A_53, %slice3A_54 : vector<64x128xf32>
    %add3A_282 = arith.addf %slice3A_55, %slice3A_56 : vector<64x128xf32>
    %add3A_283 = arith.addf %slice3A_57, %slice3A_58 : vector<64x128xf32>
    %add3A_284 = arith.addf %slice3A_59, %slice3A_60 : vector<64x128xf32>
    %add3A_285 = arith.addf %slice3A_61, %slice3A_62 : vector<64x128xf32>
    %add3A_286 = arith.addf %slice3A_63, %slice3A_64 : vector<64x128xf32>
    %add3A_287 = arith.addf %slice3A_65, %slice3A_66 : vector<64x128xf32>
    %add3A_288 = arith.addf %slice3A_67, %slice3A_68 : vector<64x128xf32>
    %add3A_289 = arith.addf %slice3A_69, %slice3A_70 : vector<64x128xf32>
    %add3A_290 = arith.addf %slice3A_71, %slice3A_72 : vector<64x128xf32>
    %add3A_291 = arith.addf %slice3A_73, %slice3A_74 : vector<64x128xf32>
    %add3A_292 = arith.addf %slice3A_75, %slice3A_76 : vector<64x128xf32>
    %add3A_293 = arith.addf %slice3A_77, %slice3A_78 : vector<64x128xf32>
    %add3A_294 = arith.addf %slice3A_79, %slice3A_80 : vector<64x128xf32>
    %add3A_295 = arith.addf %slice3A_81, %slice3A_82 : vector<64x128xf32>
    %add3A_296 = arith.addf %slice3A_83, %slice3A_84 : vector<64x128xf32>
    %add3A_297 = arith.addf %slice3A_85, %slice3A_86 : vector<64x128xf32>
    %add3A_298 = arith.addf %slice3A_87, %slice3A_88 : vector<64x128xf32>
    %add3A_299 = arith.addf %slice3A_89, %slice3A_90 : vector<64x128xf32>
    %add3A_300 = arith.addf %slice3A_91, %slice3A_92 : vector<64x128xf32>
    %add3A_301 = arith.addf %slice3A_93, %slice3A_94 : vector<64x128xf32>
    %add3A_302 = arith.addf %slice3A_95, %slice3A_96 : vector<64x128xf32>
    %add3A_303 = arith.addf %slice3A_97, %slice3A_98 : vector<64x128xf32>
    %add3A_304 = arith.addf %slice3A_99, %slice3A_100 : vector<64x128xf32>
    %add3A_305 = arith.addf %slice3A_101, %slice3A_102 : vector<64x128xf32>
    %add3A_306 = arith.addf %slice3A_103, %slice3A_104 : vector<64x128xf32>
    %add3A_307 = arith.addf %slice3A_105, %slice3A_106 : vector<64x128xf32>
    %add3A_308 = arith.addf %slice3A_107, %slice3A_108 : vector<64x128xf32>
    %add3A_309 = arith.addf %slice3A_109, %slice3A_110 : vector<64x128xf32>
    %add3A_310 = arith.addf %slice3A_111, %slice3A_112 : vector<64x128xf32>
    %add3A_311 = arith.addf %slice3A_113, %slice3A_114 : vector<64x128xf32>
    %add3A_312 = arith.addf %slice3A_115, %slice3A_116 : vector<64x128xf32>
    %add3A_313 = arith.addf %slice3A_117, %slice3A_118 : vector<64x128xf32>
    %add3A_314 = arith.addf %slice3A_119, %slice3A_120 : vector<64x128xf32>
    %add3A_315 = arith.addf %slice3A_121, %slice3A_122 : vector<64x128xf32>
    %add3A_316 = arith.addf %slice3A_123, %slice3A_124 : vector<64x128xf32>
    %add3A_317 = arith.addf %slice3A_125, %slice3A_126 : vector<64x128xf32>
    %add3A_318 = arith.addf %slice3A_127, %slice3A_128 : vector<64x128xf32>
    %add3A_319 = arith.addf %slice3A_129, %slice3A_130 : vector<64x128xf32>
    %add3A_320 = arith.addf %slice3A_131, %slice3A_132 : vector<64x128xf32>
    %add3A_321 = arith.addf %slice3A_133, %slice3A_134 : vector<64x128xf32>
    %add3A_322 = arith.addf %slice3A_135, %slice3A_136 : vector<64x128xf32>
    %add3A_323 = arith.addf %slice3A_137, %slice3A_138 : vector<64x128xf32>
    %add3A_324 = arith.addf %slice3A_139, %slice3A_140 : vector<64x128xf32>
    %add3A_325 = arith.addf %slice3A_141, %slice3A_142 : vector<64x128xf32>
    %add3A_326 = arith.addf %slice3A_143, %slice3A_144 : vector<64x128xf32>
    %add3A_327 = arith.addf %slice3A_145, %slice3A_146 : vector<64x128xf32>
    %add3A_328 = arith.addf %slice3A_147, %slice3A_148 : vector<64x128xf32>
    %add3A_329 = arith.addf %slice3A_149, %slice3A_150 : vector<64x128xf32>
    %add3A_330 = arith.addf %slice3A_151, %slice3A_152 : vector<64x128xf32>
    %add3A_331 = arith.addf %slice3A_153, %slice3A_154 : vector<64x128xf32>
    %add3A_332 = arith.addf %slice3A_155, %slice3A_156 : vector<64x128xf32>
    %add3A_333 = arith.addf %slice3A_157, %slice3A_158 : vector<64x128xf32>
    %add3A_334 = arith.addf %slice3A_159, %slice3A_160 : vector<64x128xf32>
    %add3A_335 = arith.addf %slice3A_161, %slice3A_162 : vector<64x128xf32>
    %add3A_336 = arith.addf %slice3A_163, %slice3A_164 : vector<64x128xf32>
    %add3A_337 = arith.addf %slice3A_165, %slice3A_166 : vector<64x128xf32>
    %add3A_338 = arith.addf %slice3A_167, %slice3A_168 : vector<64x128xf32>
    %add3A_339 = arith.addf %slice3A_169, %slice3A_170 : vector<64x128xf32>
    %add3A_340 = arith.addf %slice3A_171, %slice3A_172 : vector<64x128xf32>
    %add3A_341 = arith.addf %slice3A_173, %slice3A_174 : vector<64x128xf32>
    %add3A_342 = arith.addf %slice3A_175, %slice3A_176 : vector<64x128xf32>
    %add3A_343 = arith.addf %slice3A_177, %slice3A_178 : vector<64x128xf32>
    %add3A_344 = arith.addf %slice3A_179, %slice3A_180 : vector<64x128xf32>
    %add3A_345 = arith.addf %slice3A_181, %slice3A_182 : vector<64x128xf32>
    %add3A_346 = arith.addf %slice3A_183, %slice3A_184 : vector<64x128xf32>
    %add3A_347 = arith.addf %slice3A_185, %slice3A_186 : vector<64x128xf32>
    %add3A_348 = arith.addf %slice3A_187, %slice3A_188 : vector<64x128xf32>
    %add3A_349 = arith.addf %slice3A_189, %slice3A_190 : vector<64x128xf32>
    %add3A_350 = arith.addf %slice3A_191, %slice3A_192 : vector<64x128xf32>
    %add3A_351 = arith.addf %slice3A_193, %slice3A_194 : vector<64x128xf32>
    %add3A_352 = arith.addf %slice3A_195, %slice3A_196 : vector<64x128xf32>
    %add3A_353 = arith.addf %slice3A_197, %slice3A_198 : vector<64x128xf32>
    %add3A_354 = arith.addf %slice3A_199, %slice3A_200 : vector<64x128xf32>
    %add3A_355 = arith.addf %slice3A_201, %slice3A_202 : vector<64x128xf32>
    %add3A_356 = arith.addf %slice3A_203, %slice3A_204 : vector<64x128xf32>
    %add3A_357 = arith.addf %slice3A_205, %slice3A_206 : vector<64x128xf32>
    %add3A_358 = arith.addf %slice3A_207, %slice3A_208 : vector<64x128xf32>
    %add3A_359 = arith.addf %slice3A_209, %slice3A_210 : vector<64x128xf32>
    %add3A_360 = arith.addf %slice3A_211, %slice3A_212 : vector<64x128xf32>
    %add3A_361 = arith.addf %slice3A_213, %slice3A_214 : vector<64x128xf32>
    %add3A_362 = arith.addf %slice3A_215, %slice3A_216 : vector<64x128xf32>
    %add3A_363 = arith.addf %slice3A_217, %slice3A_218 : vector<64x128xf32>
    %add3A_364 = arith.addf %slice3A_219, %slice3A_220 : vector<64x128xf32>
    %add3A_365 = arith.addf %slice3A_221, %slice3A_222 : vector<64x128xf32>
    %add3A_366 = arith.addf %slice3A_223, %slice3A_224 : vector<64x128xf32>
    %add3A_367 = arith.addf %slice3A_225, %slice3A_226 : vector<64x128xf32>
    %add3A_368 = arith.addf %slice3A_227, %slice3A_228 : vector<64x128xf32>
    %add3A_369 = arith.addf %slice3A_229, %slice3A_230 : vector<64x128xf32>
    %add3A_370 = arith.addf %slice3A_231, %slice3A_232 : vector<64x128xf32>
    %add3A_371 = arith.addf %slice3A_233, %slice3A_234 : vector<64x128xf32>
    %add3A_372 = arith.addf %slice3A_235, %slice3A_236 : vector<64x128xf32>
    %add3A_373 = arith.addf %slice3A_237, %slice3A_238 : vector<64x128xf32>
    %add3A_374 = arith.addf %slice3A_239, %slice3A_240 : vector<64x128xf32>
    %add3A_375 = arith.addf %slice3A_241, %slice3A_242 : vector<64x128xf32>
    %add3A_376 = arith.addf %slice3A_243, %slice3A_244 : vector<64x128xf32>
    %add3A_377 = arith.addf %slice3A_245, %slice3A_246 : vector<64x128xf32>
    %add3A_378 = arith.addf %slice3A_247, %slice3A_248 : vector<64x128xf32>
    %add3A_379 = arith.addf %slice3A_249, %slice3A_250 : vector<64x128xf32>
    %add3A_380 = arith.addf %slice3A_251, %slice3A_252 : vector<64x128xf32>
    %add3A_381 = arith.addf %slice3A_253, %slice3A_254 : vector<64x128xf32>
    %add3A_382 = arith.addf %slice3A_255, %slice3A_256 : vector<64x128xf32>
    %add3A_383 = arith.addf %slice3A_257, %slice3A_258 : vector<64x128xf32>
    %add3A_384 = arith.addf %slice3A_259, %slice3A_260 : vector<64x128xf32>
    %add3A_385 = arith.addf %add3A, %add3A_261 : vector<64x128xf32>
    %add3A_386 = arith.addf %add3A_262, %add3A_263 : vector<64x128xf32>
    %add3A_387 = arith.addf %add3A_264, %add3A_265 : vector<64x128xf32>
    %add3A_388 = arith.addf %add3A_266, %add3A_267 : vector<64x128xf32>
    %add3A_389 = arith.addf %add3A_268, %add3A_269 : vector<64x128xf32>
    %add3A_390 = arith.addf %add3A_270, %add3A_271 : vector<64x128xf32>
    %add3A_391 = arith.addf %add3A_272, %add3A_273 : vector<64x128xf32>
    %add3A_392 = arith.addf %add3A_274, %add3A_275 : vector<64x128xf32>
    %add3A_393 = arith.addf %add3A_276, %add3A_277 : vector<64x128xf32>
    %add3A_394 = arith.addf %add3A_278, %add3A_279 : vector<64x128xf32>
    %add3A_395 = arith.addf %add3A_280, %add3A_281 : vector<64x128xf32>
    %add3A_396 = arith.addf %add3A_282, %add3A_283 : vector<64x128xf32>
    %add3A_397 = arith.addf %add3A_284, %add3A_285 : vector<64x128xf32>
    %add3A_398 = arith.addf %add3A_286, %add3A_287 : vector<64x128xf32>
    %add3A_399 = arith.addf %add3A_288, %add3A_289 : vector<64x128xf32>
    %add3A_400 = arith.addf %add3A_290, %add3A_291 : vector<64x128xf32>
    %add3A_401 = arith.addf %add3A_292, %add3A_293 : vector<64x128xf32>
    %add3A_402 = arith.addf %add3A_294, %add3A_295 : vector<64x128xf32>
    %add3A_403 = arith.addf %add3A_296, %add3A_297 : vector<64x128xf32>
    %add3A_404 = arith.addf %add3A_298, %add3A_299 : vector<64x128xf32>
    %add3A_405 = arith.addf %add3A_300, %add3A_301 : vector<64x128xf32>
    %add3A_406 = arith.addf %add3A_302, %add3A_303 : vector<64x128xf32>
    %add3A_407 = arith.addf %add3A_304, %add3A_305 : vector<64x128xf32>
    %add3A_408 = arith.addf %add3A_306, %add3A_307 : vector<64x128xf32>
    %add3A_409 = arith.addf %add3A_308, %add3A_309 : vector<64x128xf32>
    %add3A_410 = arith.addf %add3A_310, %add3A_311 : vector<64x128xf32>
    %add3A_411 = arith.addf %add3A_312, %add3A_313 : vector<64x128xf32>
    %add3A_412 = arith.addf %add3A_314, %add3A_315 : vector<64x128xf32>
    %add3A_413 = arith.addf %add3A_316, %add3A_317 : vector<64x128xf32>
    %add3A_414 = arith.addf %add3A_318, %add3A_319 : vector<64x128xf32>
    %add3A_415 = arith.addf %add3A_320, %add3A_321 : vector<64x128xf32>
    %add3A_416 = arith.addf %add3A_322, %add3A_323 : vector<64x128xf32>
    %add3A_417 = arith.addf %add3A_324, %add3A_325 : vector<64x128xf32>
    %add3A_418 = arith.addf %add3A_326, %add3A_327 : vector<64x128xf32>
    %add3A_419 = arith.addf %add3A_328, %add3A_329 : vector<64x128xf32>
    %add3A_420 = arith.addf %add3A_330, %add3A_331 : vector<64x128xf32>
    %add3A_421 = arith.addf %add3A_332, %add3A_333 : vector<64x128xf32>
    %add3A_422 = arith.addf %add3A_334, %add3A_335 : vector<64x128xf32>
    %add3A_423 = arith.addf %add3A_336, %add3A_337 : vector<64x128xf32>
    %add3A_424 = arith.addf %add3A_338, %add3A_339 : vector<64x128xf32>
    %add3A_425 = arith.addf %add3A_340, %add3A_341 : vector<64x128xf32>
    %add3A_426 = arith.addf %add3A_342, %add3A_343 : vector<64x128xf32>
    %add3A_427 = arith.addf %add3A_344, %add3A_345 : vector<64x128xf32>
    %add3A_428 = arith.addf %add3A_346, %add3A_347 : vector<64x128xf32>
    %add3A_429 = arith.addf %add3A_348, %add3A_349 : vector<64x128xf32>
    %add3A_430 = arith.addf %add3A_350, %add3A_351 : vector<64x128xf32>
    %add3A_431 = arith.addf %add3A_352, %add3A_353 : vector<64x128xf32>
    %add3A_432 = arith.addf %add3A_354, %add3A_355 : vector<64x128xf32>
    %add3A_433 = arith.addf %add3A_356, %add3A_357 : vector<64x128xf32>
    %add3A_434 = arith.addf %add3A_358, %add3A_359 : vector<64x128xf32>
    %add3A_435 = arith.addf %add3A_360, %add3A_361 : vector<64x128xf32>
    %add3A_436 = arith.addf %add3A_362, %add3A_363 : vector<64x128xf32>
    %add3A_437 = arith.addf %add3A_364, %add3A_365 : vector<64x128xf32>
    %add3A_438 = arith.addf %add3A_366, %add3A_367 : vector<64x128xf32>
    %add3A_439 = arith.addf %add3A_368, %add3A_369 : vector<64x128xf32>
    %add3A_440 = arith.addf %add3A_370, %add3A_371 : vector<64x128xf32>
    %add3A_441 = arith.addf %add3A_372, %add3A_373 : vector<64x128xf32>
    %add3A_442 = arith.addf %add3A_374, %add3A_375 : vector<64x128xf32>
    %add3A_443 = arith.addf %add3A_376, %add3A_377 : vector<64x128xf32>
    %add3A_444 = arith.addf %add3A_378, %add3A_379 : vector<64x128xf32>
    %add3A_445 = arith.addf %add3A_380, %add3A_381 : vector<64x128xf32>
    %add3A_446 = arith.addf %add3A_382, %add3A_383 : vector<64x128xf32>
    %add3A_447 = arith.addf %add3A_385, %add3A_386 : vector<64x128xf32>
    %add3A_448 = arith.addf %add3A_387, %add3A_388 : vector<64x128xf32>
    %add3A_449 = arith.addf %add3A_389, %add3A_390 : vector<64x128xf32>
    %add3A_450 = arith.addf %add3A_391, %add3A_392 : vector<64x128xf32>
    %add3A_451 = arith.addf %add3A_393, %add3A_394 : vector<64x128xf32>
    %add3A_452 = arith.addf %add3A_395, %add3A_396 : vector<64x128xf32>
    %add3A_453 = arith.addf %add3A_397, %add3A_398 : vector<64x128xf32>
    %add3A_454 = arith.addf %add3A_399, %add3A_400 : vector<64x128xf32>
    %add3A_455 = arith.addf %add3A_401, %add3A_402 : vector<64x128xf32>
    %add3A_456 = arith.addf %add3A_403, %add3A_404 : vector<64x128xf32>
    %add3A_457 = arith.addf %add3A_405, %add3A_406 : vector<64x128xf32>
    %add3A_458 = arith.addf %add3A_407, %add3A_408 : vector<64x128xf32>
    %add3A_459 = arith.addf %add3A_409, %add3A_410 : vector<64x128xf32>
    %add3A_460 = arith.addf %add3A_411, %add3A_412 : vector<64x128xf32>
    %add3A_461 = arith.addf %add3A_413, %add3A_414 : vector<64x128xf32>
    %add3A_462 = arith.addf %add3A_415, %add3A_416 : vector<64x128xf32>
    %add3A_463 = arith.addf %add3A_417, %add3A_418 : vector<64x128xf32>
    %add3A_464 = arith.addf %add3A_419, %add3A_420 : vector<64x128xf32>
    %add3A_465 = arith.addf %add3A_421, %add3A_422 : vector<64x128xf32>
    %add3A_466 = arith.addf %add3A_423, %add3A_424 : vector<64x128xf32>
    %add3A_467 = arith.addf %add3A_425, %add3A_426 : vector<64x128xf32>
    %add3A_468 = arith.addf %add3A_427, %add3A_428 : vector<64x128xf32>
    %add3A_469 = arith.addf %add3A_429, %add3A_430 : vector<64x128xf32>
    %add3A_470 = arith.addf %add3A_431, %add3A_432 : vector<64x128xf32>
    %add3A_471 = arith.addf %add3A_433, %add3A_434 : vector<64x128xf32>
    %add3A_472 = arith.addf %add3A_435, %add3A_436 : vector<64x128xf32>
    %add3A_473 = arith.addf %add3A_437, %add3A_438 : vector<64x128xf32>
    %add3A_474 = arith.addf %add3A_439, %add3A_440 : vector<64x128xf32>
    %add3A_475 = arith.addf %add3A_441, %add3A_442 : vector<64x128xf32>
    %add3A_476 = arith.addf %add3A_443, %add3A_444 : vector<64x128xf32>
    %add3A_477 = arith.addf %add3A_445, %add3A_446 : vector<64x128xf32>
    %add3A_478 = arith.addf %add3A_447, %add3A_448 : vector<64x128xf32>
    %add3A_479 = arith.addf %add3A_449, %add3A_450 : vector<64x128xf32>
    %add3A_480 = arith.addf %add3A_451, %add3A_452 : vector<64x128xf32>
    %add3A_481 = arith.addf %add3A_453, %add3A_454 : vector<64x128xf32>
    %add3A_482 = arith.addf %add3A_455, %add3A_456 : vector<64x128xf32>
    %add3A_483 = arith.addf %add3A_457, %add3A_458 : vector<64x128xf32>
    %add3A_484 = arith.addf %add3A_459, %add3A_460 : vector<64x128xf32>
    %add3A_485 = arith.addf %add3A_461, %add3A_462 : vector<64x128xf32>
    %add3A_486 = arith.addf %add3A_463, %add3A_464 : vector<64x128xf32>
    %add3A_487 = arith.addf %add3A_465, %add3A_466 : vector<64x128xf32>
    %add3A_488 = arith.addf %add3A_467, %add3A_468 : vector<64x128xf32>
    %add3A_489 = arith.addf %add3A_469, %add3A_470 : vector<64x128xf32>
    %add3A_490 = arith.addf %add3A_471, %add3A_472 : vector<64x128xf32>
    %add3A_491 = arith.addf %add3A_473, %add3A_474 : vector<64x128xf32>
    %add3A_492 = arith.addf %add3A_475, %add3A_476 : vector<64x128xf32>
    %add3A_493 = arith.addf %add3A_477, %add3A_384 : vector<64x128xf32>
    %add3A_494 = arith.addf %add3A_478, %add3A_479 : vector<64x128xf32>
    %add3A_495 = arith.addf %add3A_480, %add3A_481 : vector<64x128xf32>
    %add3A_496 = arith.addf %add3A_482, %add3A_483 : vector<64x128xf32>
    %add3A_497 = arith.addf %add3A_484, %add3A_485 : vector<64x128xf32>
    %add3A_498 = arith.addf %add3A_486, %add3A_487 : vector<64x128xf32>
    %add3A_499 = arith.addf %add3A_488, %add3A_489 : vector<64x128xf32>
    %add3A_500 = arith.addf %add3A_490, %add3A_491 : vector<64x128xf32>
    %add3A_501 = arith.addf %add3A_492, %add3A_493 : vector<64x128xf32>
    %add3A_502 = arith.addf %add3A_494, %add3A_495 : vector<64x128xf32>
    %add3A_503 = arith.addf %add3A_496, %add3A_497 : vector<64x128xf32>
    %add3A_504 = arith.addf %add3A_498, %add3A_499 : vector<64x128xf32>
    %add3A_505 = arith.addf %add3A_500, %add3A_501 : vector<64x128xf32>
    %add3A_506 = arith.addf %add3A_502, %add3A_503 : vector<64x128xf32>
    %add3A_507 = arith.addf %add3A_504, %add3A_505 : vector<64x128xf32>
    %add3A_508 = arith.addf %add3A_506, %add3A_507 : vector<64x128xf32>
    %shift_right_logical3A = arith.constant 7 : i32
    %shift_right_logical3A_509 = vector.broadcast %shift_right_logical3A : i32 to vector<64x1xi32>
    %shift_right_logical3A_510 = arith.shrui %get3A_3, %shift_right_logical3A_509 : vector<64x1xi32>
    %and3A = arith.constant 1 : i32
    %and3A_511 = vector.broadcast %and3A : i32 to vector<64x1xi32>
    %and3A_512 = arith.andi %shift_right_logical3A_510, %and3A_511 : vector<64x1xi32>
    %eq3A_513 = arith.constant 1 : i32
    %eq3A_514 = vector.broadcast %eq3A_513 : i32 to vector<64x1xi32>
    %eq3A_515 = arith.cmpi eq, %and3A_512, %eq3A_514 : vector<64x1xi32>
    %broadcast_in_dim3A = vector.shape_cast %eq3A_515 : vector<64x1xi1> to vector<64x1xi1>
    %broadcast_in_dim3A_516 = vector.broadcast %broadcast_in_dim3A : vector<64x1xi1> to vector<64x128xi1>
    %select_n3A = arith.select %broadcast_in_dim3A_516, %slice3A_12, %slice3A : vector<64x128xi1>, vector<64x128xf32>
    %select_n3A_517 = arith.select %broadcast_in_dim3A_516, %slice3A_14, %slice3A_13 : vector<64x128xi1>, vector<64x128xf32>
    %select_n3A_518 = arith.select %broadcast_in_dim3A_516, %slice3A_16, %slice3A_15 : vector<64x128xi1>, vector<64x128xf32>
    %select_n3A_519 = arith.select %broadcast_in_dim3A_516, %slice3A_18, %slice3A_17 : vector<64x128xi1>, vector<64x128xf32>
    %select_n3A_520 = arith.select %broadcast_in_dim3A_516, %slice3A_20, %slice3A_19 : vector<64x128xi1>, vector<64x128xf32>
    %select_n3A_521 = arith.select %broadcast_in_dim3A_516, %slice3A_22, %slice3A_21 : vector<64x128xi1>, vector<64x128xf32>
    %select_n3A_522 = arith.select %broadcast_in_dim3A_516, %slice3A_24, %slice3A_23 : vector<64x128xi1>, vector<64x128xf32>
    %select_n3A_523 = arith.select %broadcast_in_dim3A_516, %slice3A_26, %slice3A_25 : vector<64x128xi1>, vector<64x128xf32>
    %select_n3A_524 = arith.select %broadcast_in_dim3A_516, %slice3A_28, %slice3A_27 : vector<64x128xi1>, vector<64x128xf32>
    %select_n3A_525 = arith.select %broadcast_in_dim3A_516, %slice3A_30, %slice3A_29 : vector<64x128xi1>, vector<64x128xf32>
    %select_n3A_526 = arith.select %broadcast_in_dim3A_516, %slice3A_32, %slice3A_31 : vector<64x128xi1>, vector<64x128xf32>
    %select_n3A_527 = arith.select %broadcast_in_dim3A_516, %slice3A_34, %slice3A_33 : vector<64x128xi1>, vector<64x128xf32>
    %select_n3A_528 = arith.select %broadcast_in_dim3A_516, %slice3A_36, %slice3A_35 : vector<64x128xi1>, vector<64x128xf32>
    %select_n3A_529 = arith.select %broadcast_in_dim3A_516, %slice3A_38, %slice3A_37 : vector<64x128xi1>, vector<64x128xf32>
    %select_n3A_530 = arith.select %broadcast_in_dim3A_516, %slice3A_40, %slice3A_39 : vector<64x128xi1>, vector<64x128xf32>
    %select_n3A_531 = arith.select %broadcast_in_dim3A_516, %slice3A_42, %slice3A_41 : vector<64x128xi1>, vector<64x128xf32>
    %select_n3A_532 = arith.select %broadcast_in_dim3A_516, %slice3A_44, %slice3A_43 : vector<64x128xi1>, vector<64x128xf32>
    %select_n3A_533 = arith.select %broadcast_in_dim3A_516, %slice3A_46, %slice3A_45 : vector<64x128xi1>, vector<64x128xf32>
    %select_n3A_534 = arith.select %broadcast_in_dim3A_516, %slice3A_48, %slice3A_47 : vector<64x128xi1>, vector<64x128xf32>
    %select_n3A_535 = arith.select %broadcast_in_dim3A_516, %slice3A_50, %slice3A_49 : vector<64x128xi1>, vector<64x128xf32>
    %select_n3A_536 = arith.select %broadcast_in_dim3A_516, %slice3A_52, %slice3A_51 : vector<64x128xi1>, vector<64x128xf32>
    %select_n3A_537 = arith.select %broadcast_in_dim3A_516, %slice3A_54, %slice3A_53 : vector<64x128xi1>, vector<64x128xf32>
    %select_n3A_538 = arith.select %broadcast_in_dim3A_516, %slice3A_56, %slice3A_55 : vector<64x128xi1>, vector<64x128xf32>
    %select_n3A_539 = arith.select %broadcast_in_dim3A_516, %slice3A_58, %slice3A_57 : vector<64x128xi1>, vector<64x128xf32>
    %select_n3A_540 = arith.select %broadcast_in_dim3A_516, %slice3A_60, %slice3A_59 : vector<64x128xi1>, vector<64x128xf32>
    %select_n3A_541 = arith.select %broadcast_in_dim3A_516, %slice3A_62, %slice3A_61 : vector<64x128xi1>, vector<64x128xf32>
    %select_n3A_542 = arith.select %broadcast_in_dim3A_516, %slice3A_64, %slice3A_63 : vector<64x128xi1>, vector<64x128xf32>
    %select_n3A_543 = arith.select %broadcast_in_dim3A_516, %slice3A_66, %slice3A_65 : vector<64x128xi1>, vector<64x128xf32>
    %select_n3A_544 = arith.select %broadcast_in_dim3A_516, %slice3A_68, %slice3A_67 : vector<64x128xi1>, vector<64x128xf32>
    %select_n3A_545 = arith.select %broadcast_in_dim3A_516, %slice3A_70, %slice3A_69 : vector<64x128xi1>, vector<64x128xf32>
    %select_n3A_546 = arith.select %broadcast_in_dim3A_516, %slice3A_72, %slice3A_71 : vector<64x128xi1>, vector<64x128xf32>
    %select_n3A_547 = arith.select %broadcast_in_dim3A_516, %slice3A_74, %slice3A_73 : vector<64x128xi1>, vector<64x128xf32>
    %select_n3A_548 = arith.select %broadcast_in_dim3A_516, %slice3A_76, %slice3A_75 : vector<64x128xi1>, vector<64x128xf32>
    %select_n3A_549 = arith.select %broadcast_in_dim3A_516, %slice3A_78, %slice3A_77 : vector<64x128xi1>, vector<64x128xf32>
    %select_n3A_550 = arith.select %broadcast_in_dim3A_516, %slice3A_80, %slice3A_79 : vector<64x128xi1>, vector<64x128xf32>
    %select_n3A_551 = arith.select %broadcast_in_dim3A_516, %slice3A_82, %slice3A_81 : vector<64x128xi1>, vector<64x128xf32>
    %select_n3A_552 = arith.select %broadcast_in_dim3A_516, %slice3A_84, %slice3A_83 : vector<64x128xi1>, vector<64x128xf32>
    %select_n3A_553 = arith.select %broadcast_in_dim3A_516, %slice3A_86, %slice3A_85 : vector<64x128xi1>, vector<64x128xf32>
    %select_n3A_554 = arith.select %broadcast_in_dim3A_516, %slice3A_88, %slice3A_87 : vector<64x128xi1>, vector<64x128xf32>
    %select_n3A_555 = arith.select %broadcast_in_dim3A_516, %slice3A_90, %slice3A_89 : vector<64x128xi1>, vector<64x128xf32>
    %select_n3A_556 = arith.select %broadcast_in_dim3A_516, %slice3A_92, %slice3A_91 : vector<64x128xi1>, vector<64x128xf32>
    %select_n3A_557 = arith.select %broadcast_in_dim3A_516, %slice3A_94, %slice3A_93 : vector<64x128xi1>, vector<64x128xf32>
    %select_n3A_558 = arith.select %broadcast_in_dim3A_516, %slice3A_96, %slice3A_95 : vector<64x128xi1>, vector<64x128xf32>
    %select_n3A_559 = arith.select %broadcast_in_dim3A_516, %slice3A_98, %slice3A_97 : vector<64x128xi1>, vector<64x128xf32>
    %select_n3A_560 = arith.select %broadcast_in_dim3A_516, %slice3A_100, %slice3A_99 : vector<64x128xi1>, vector<64x128xf32>
    %select_n3A_561 = arith.select %broadcast_in_dim3A_516, %slice3A_102, %slice3A_101 : vector<64x128xi1>, vector<64x128xf32>
    %select_n3A_562 = arith.select %broadcast_in_dim3A_516, %slice3A_104, %slice3A_103 : vector<64x128xi1>, vector<64x128xf32>
    %select_n3A_563 = arith.select %broadcast_in_dim3A_516, %slice3A_106, %slice3A_105 : vector<64x128xi1>, vector<64x128xf32>
    %select_n3A_564 = arith.select %broadcast_in_dim3A_516, %slice3A_108, %slice3A_107 : vector<64x128xi1>, vector<64x128xf32>
    %select_n3A_565 = arith.select %broadcast_in_dim3A_516, %slice3A_110, %slice3A_109 : vector<64x128xi1>, vector<64x128xf32>
    %select_n3A_566 = arith.select %broadcast_in_dim3A_516, %slice3A_112, %slice3A_111 : vector<64x128xi1>, vector<64x128xf32>
    %select_n3A_567 = arith.select %broadcast_in_dim3A_516, %slice3A_114, %slice3A_113 : vector<64x128xi1>, vector<64x128xf32>
    %select_n3A_568 = arith.select %broadcast_in_dim3A_516, %slice3A_116, %slice3A_115 : vector<64x128xi1>, vector<64x128xf32>
    %select_n3A_569 = arith.select %broadcast_in_dim3A_516, %slice3A_118, %slice3A_117 : vector<64x128xi1>, vector<64x128xf32>
    %select_n3A_570 = arith.select %broadcast_in_dim3A_516, %slice3A_120, %slice3A_119 : vector<64x128xi1>, vector<64x128xf32>
    %select_n3A_571 = arith.select %broadcast_in_dim3A_516, %slice3A_122, %slice3A_121 : vector<64x128xi1>, vector<64x128xf32>
    %select_n3A_572 = arith.select %broadcast_in_dim3A_516, %slice3A_124, %slice3A_123 : vector<64x128xi1>, vector<64x128xf32>
    %select_n3A_573 = arith.select %broadcast_in_dim3A_516, %slice3A_126, %slice3A_125 : vector<64x128xi1>, vector<64x128xf32>
    %select_n3A_574 = arith.select %broadcast_in_dim3A_516, %slice3A_128, %slice3A_127 : vector<64x128xi1>, vector<64x128xf32>
    %select_n3A_575 = arith.select %broadcast_in_dim3A_516, %slice3A_130, %slice3A_129 : vector<64x128xi1>, vector<64x128xf32>
    %select_n3A_576 = arith.select %broadcast_in_dim3A_516, %slice3A_132, %slice3A_131 : vector<64x128xi1>, vector<64x128xf32>
    %select_n3A_577 = arith.select %broadcast_in_dim3A_516, %slice3A_134, %slice3A_133 : vector<64x128xi1>, vector<64x128xf32>
    %select_n3A_578 = arith.select %broadcast_in_dim3A_516, %slice3A_136, %slice3A_135 : vector<64x128xi1>, vector<64x128xf32>
    %select_n3A_579 = arith.select %broadcast_in_dim3A_516, %slice3A_138, %slice3A_137 : vector<64x128xi1>, vector<64x128xf32>
    %select_n3A_580 = arith.select %broadcast_in_dim3A_516, %slice3A_140, %slice3A_139 : vector<64x128xi1>, vector<64x128xf32>
    %select_n3A_581 = arith.select %broadcast_in_dim3A_516, %slice3A_142, %slice3A_141 : vector<64x128xi1>, vector<64x128xf32>
    %select_n3A_582 = arith.select %broadcast_in_dim3A_516, %slice3A_144, %slice3A_143 : vector<64x128xi1>, vector<64x128xf32>
    %select_n3A_583 = arith.select %broadcast_in_dim3A_516, %slice3A_146, %slice3A_145 : vector<64x128xi1>, vector<64x128xf32>
    %select_n3A_584 = arith.select %broadcast_in_dim3A_516, %slice3A_148, %slice3A_147 : vector<64x128xi1>, vector<64x128xf32>
    %select_n3A_585 = arith.select %broadcast_in_dim3A_516, %slice3A_150, %slice3A_149 : vector<64x128xi1>, vector<64x128xf32>
    %select_n3A_586 = arith.select %broadcast_in_dim3A_516, %slice3A_152, %slice3A_151 : vector<64x128xi1>, vector<64x128xf32>
    %select_n3A_587 = arith.select %broadcast_in_dim3A_516, %slice3A_154, %slice3A_153 : vector<64x128xi1>, vector<64x128xf32>
    %select_n3A_588 = arith.select %broadcast_in_dim3A_516, %slice3A_156, %slice3A_155 : vector<64x128xi1>, vector<64x128xf32>
    %select_n3A_589 = arith.select %broadcast_in_dim3A_516, %slice3A_158, %slice3A_157 : vector<64x128xi1>, vector<64x128xf32>
    %select_n3A_590 = arith.select %broadcast_in_dim3A_516, %slice3A_160, %slice3A_159 : vector<64x128xi1>, vector<64x128xf32>
    %select_n3A_591 = arith.select %broadcast_in_dim3A_516, %slice3A_162, %slice3A_161 : vector<64x128xi1>, vector<64x128xf32>
    %select_n3A_592 = arith.select %broadcast_in_dim3A_516, %slice3A_164, %slice3A_163 : vector<64x128xi1>, vector<64x128xf32>
    %select_n3A_593 = arith.select %broadcast_in_dim3A_516, %slice3A_166, %slice3A_165 : vector<64x128xi1>, vector<64x128xf32>
    %select_n3A_594 = arith.select %broadcast_in_dim3A_516, %slice3A_168, %slice3A_167 : vector<64x128xi1>, vector<64x128xf32>
    %select_n3A_595 = arith.select %broadcast_in_dim3A_516, %slice3A_170, %slice3A_169 : vector<64x128xi1>, vector<64x128xf32>
    %select_n3A_596 = arith.select %broadcast_in_dim3A_516, %slice3A_172, %slice3A_171 : vector<64x128xi1>, vector<64x128xf32>
    %select_n3A_597 = arith.select %broadcast_in_dim3A_516, %slice3A_174, %slice3A_173 : vector<64x128xi1>, vector<64x128xf32>
    %select_n3A_598 = arith.select %broadcast_in_dim3A_516, %slice3A_176, %slice3A_175 : vector<64x128xi1>, vector<64x128xf32>
    %select_n3A_599 = arith.select %broadcast_in_dim3A_516, %slice3A_178, %slice3A_177 : vector<64x128xi1>, vector<64x128xf32>
    %select_n3A_600 = arith.select %broadcast_in_dim3A_516, %slice3A_180, %slice3A_179 : vector<64x128xi1>, vector<64x128xf32>
    %select_n3A_601 = arith.select %broadcast_in_dim3A_516, %slice3A_182, %slice3A_181 : vector<64x128xi1>, vector<64x128xf32>
    %select_n3A_602 = arith.select %broadcast_in_dim3A_516, %slice3A_184, %slice3A_183 : vector<64x128xi1>, vector<64x128xf32>
    %select_n3A_603 = arith.select %broadcast_in_dim3A_516, %slice3A_186, %slice3A_185 : vector<64x128xi1>, vector<64x128xf32>
    %select_n3A_604 = arith.select %broadcast_in_dim3A_516, %slice3A_188, %slice3A_187 : vector<64x128xi1>, vector<64x128xf32>
    %select_n3A_605 = arith.select %broadcast_in_dim3A_516, %slice3A_190, %slice3A_189 : vector<64x128xi1>, vector<64x128xf32>
    %select_n3A_606 = arith.select %broadcast_in_dim3A_516, %slice3A_192, %slice3A_191 : vector<64x128xi1>, vector<64x128xf32>
    %select_n3A_607 = arith.select %broadcast_in_dim3A_516, %slice3A_194, %slice3A_193 : vector<64x128xi1>, vector<64x128xf32>
    %select_n3A_608 = arith.select %broadcast_in_dim3A_516, %slice3A_196, %slice3A_195 : vector<64x128xi1>, vector<64x128xf32>
    %select_n3A_609 = arith.select %broadcast_in_dim3A_516, %slice3A_198, %slice3A_197 : vector<64x128xi1>, vector<64x128xf32>
    %select_n3A_610 = arith.select %broadcast_in_dim3A_516, %slice3A_200, %slice3A_199 : vector<64x128xi1>, vector<64x128xf32>
    %select_n3A_611 = arith.select %broadcast_in_dim3A_516, %slice3A_202, %slice3A_201 : vector<64x128xi1>, vector<64x128xf32>
    %select_n3A_612 = arith.select %broadcast_in_dim3A_516, %slice3A_204, %slice3A_203 : vector<64x128xi1>, vector<64x128xf32>
    %select_n3A_613 = arith.select %broadcast_in_dim3A_516, %slice3A_206, %slice3A_205 : vector<64x128xi1>, vector<64x128xf32>
    %select_n3A_614 = arith.select %broadcast_in_dim3A_516, %slice3A_208, %slice3A_207 : vector<64x128xi1>, vector<64x128xf32>
    %select_n3A_615 = arith.select %broadcast_in_dim3A_516, %slice3A_210, %slice3A_209 : vector<64x128xi1>, vector<64x128xf32>
    %select_n3A_616 = arith.select %broadcast_in_dim3A_516, %slice3A_212, %slice3A_211 : vector<64x128xi1>, vector<64x128xf32>
    %select_n3A_617 = arith.select %broadcast_in_dim3A_516, %slice3A_214, %slice3A_213 : vector<64x128xi1>, vector<64x128xf32>
    %select_n3A_618 = arith.select %broadcast_in_dim3A_516, %slice3A_216, %slice3A_215 : vector<64x128xi1>, vector<64x128xf32>
    %select_n3A_619 = arith.select %broadcast_in_dim3A_516, %slice3A_218, %slice3A_217 : vector<64x128xi1>, vector<64x128xf32>
    %select_n3A_620 = arith.select %broadcast_in_dim3A_516, %slice3A_220, %slice3A_219 : vector<64x128xi1>, vector<64x128xf32>
    %select_n3A_621 = arith.select %broadcast_in_dim3A_516, %slice3A_222, %slice3A_221 : vector<64x128xi1>, vector<64x128xf32>
    %select_n3A_622 = arith.select %broadcast_in_dim3A_516, %slice3A_224, %slice3A_223 : vector<64x128xi1>, vector<64x128xf32>
    %select_n3A_623 = arith.select %broadcast_in_dim3A_516, %slice3A_226, %slice3A_225 : vector<64x128xi1>, vector<64x128xf32>
    %select_n3A_624 = arith.select %broadcast_in_dim3A_516, %slice3A_228, %slice3A_227 : vector<64x128xi1>, vector<64x128xf32>
    %select_n3A_625 = arith.select %broadcast_in_dim3A_516, %slice3A_230, %slice3A_229 : vector<64x128xi1>, vector<64x128xf32>
    %select_n3A_626 = arith.select %broadcast_in_dim3A_516, %slice3A_232, %slice3A_231 : vector<64x128xi1>, vector<64x128xf32>
    %select_n3A_627 = arith.select %broadcast_in_dim3A_516, %slice3A_234, %slice3A_233 : vector<64x128xi1>, vector<64x128xf32>
    %select_n3A_628 = arith.select %broadcast_in_dim3A_516, %slice3A_236, %slice3A_235 : vector<64x128xi1>, vector<64x128xf32>
    %select_n3A_629 = arith.select %broadcast_in_dim3A_516, %slice3A_238, %slice3A_237 : vector<64x128xi1>, vector<64x128xf32>
    %select_n3A_630 = arith.select %broadcast_in_dim3A_516, %slice3A_240, %slice3A_239 : vector<64x128xi1>, vector<64x128xf32>
    %select_n3A_631 = arith.select %broadcast_in_dim3A_516, %slice3A_242, %slice3A_241 : vector<64x128xi1>, vector<64x128xf32>
    %select_n3A_632 = arith.select %broadcast_in_dim3A_516, %slice3A_244, %slice3A_243 : vector<64x128xi1>, vector<64x128xf32>
    %select_n3A_633 = arith.select %broadcast_in_dim3A_516, %slice3A_246, %slice3A_245 : vector<64x128xi1>, vector<64x128xf32>
    %select_n3A_634 = arith.select %broadcast_in_dim3A_516, %slice3A_248, %slice3A_247 : vector<64x128xi1>, vector<64x128xf32>
    %select_n3A_635 = arith.select %broadcast_in_dim3A_516, %slice3A_250, %slice3A_249 : vector<64x128xi1>, vector<64x128xf32>
    %select_n3A_636 = arith.select %broadcast_in_dim3A_516, %slice3A_252, %slice3A_251 : vector<64x128xi1>, vector<64x128xf32>
    %select_n3A_637 = arith.select %broadcast_in_dim3A_516, %slice3A_254, %slice3A_253 : vector<64x128xi1>, vector<64x128xf32>
    %select_n3A_638 = arith.select %broadcast_in_dim3A_516, %slice3A_256, %slice3A_255 : vector<64x128xi1>, vector<64x128xf32>
    %select_n3A_639 = arith.select %broadcast_in_dim3A_516, %slice3A_258, %slice3A_257 : vector<64x128xi1>, vector<64x128xf32>
    %select_n3A_640 = arith.select %broadcast_in_dim3A_516, %slice3A_260, %slice3A_259 : vector<64x128xi1>, vector<64x128xf32>
    %shift_right_logical3A_641 = arith.constant 8 : i32
    %shift_right_logical3A_642 = vector.broadcast %shift_right_logical3A_641 : i32 to vector<64x1xi32>
    %shift_right_logical3A_643 = arith.shrui %get3A_3, %shift_right_logical3A_642 : vector<64x1xi32>
    %and3A_644 = arith.constant 1 : i32
    %and3A_645 = vector.broadcast %and3A_644 : i32 to vector<64x1xi32>
    %and3A_646 = arith.andi %shift_right_logical3A_643, %and3A_645 : vector<64x1xi32>
    %eq3A_647 = arith.constant 1 : i32
    %eq3A_648 = vector.broadcast %eq3A_647 : i32 to vector<64x1xi32>
    %eq3A_649 = arith.cmpi eq, %and3A_646, %eq3A_648 : vector<64x1xi32>
    %broadcast_in_dim3A_650 = vector.shape_cast %eq3A_649 : vector<64x1xi1> to vector<64x1xi1>
    %broadcast_in_dim3A_651 = vector.broadcast %broadcast_in_dim3A_650 : vector<64x1xi1> to vector<64x128xi1>
    %select_n3A_652 = arith.select %broadcast_in_dim3A_651, %select_n3A_517, %select_n3A : vector<64x128xi1>, vector<64x128xf32>
    %select_n3A_653 = arith.select %broadcast_in_dim3A_651, %select_n3A_519, %select_n3A_518 : vector<64x128xi1>, vector<64x128xf32>
    %select_n3A_654 = arith.select %broadcast_in_dim3A_651, %select_n3A_521, %select_n3A_520 : vector<64x128xi1>, vector<64x128xf32>
    %select_n3A_655 = arith.select %broadcast_in_dim3A_651, %select_n3A_523, %select_n3A_522 : vector<64x128xi1>, vector<64x128xf32>
    %select_n3A_656 = arith.select %broadcast_in_dim3A_651, %select_n3A_525, %select_n3A_524 : vector<64x128xi1>, vector<64x128xf32>
    %select_n3A_657 = arith.select %broadcast_in_dim3A_651, %select_n3A_527, %select_n3A_526 : vector<64x128xi1>, vector<64x128xf32>
    %select_n3A_658 = arith.select %broadcast_in_dim3A_651, %select_n3A_529, %select_n3A_528 : vector<64x128xi1>, vector<64x128xf32>
    %select_n3A_659 = arith.select %broadcast_in_dim3A_651, %select_n3A_531, %select_n3A_530 : vector<64x128xi1>, vector<64x128xf32>
    %select_n3A_660 = arith.select %broadcast_in_dim3A_651, %select_n3A_533, %select_n3A_532 : vector<64x128xi1>, vector<64x128xf32>
    %select_n3A_661 = arith.select %broadcast_in_dim3A_651, %select_n3A_535, %select_n3A_534 : vector<64x128xi1>, vector<64x128xf32>
    %select_n3A_662 = arith.select %broadcast_in_dim3A_651, %select_n3A_537, %select_n3A_536 : vector<64x128xi1>, vector<64x128xf32>
    %select_n3A_663 = arith.select %broadcast_in_dim3A_651, %select_n3A_539, %select_n3A_538 : vector<64x128xi1>, vector<64x128xf32>
    %select_n3A_664 = arith.select %broadcast_in_dim3A_651, %select_n3A_541, %select_n3A_540 : vector<64x128xi1>, vector<64x128xf32>
    %select_n3A_665 = arith.select %broadcast_in_dim3A_651, %select_n3A_543, %select_n3A_542 : vector<64x128xi1>, vector<64x128xf32>
    %select_n3A_666 = arith.select %broadcast_in_dim3A_651, %select_n3A_545, %select_n3A_544 : vector<64x128xi1>, vector<64x128xf32>
    %select_n3A_667 = arith.select %broadcast_in_dim3A_651, %select_n3A_547, %select_n3A_546 : vector<64x128xi1>, vector<64x128xf32>
    %select_n3A_668 = arith.select %broadcast_in_dim3A_651, %select_n3A_549, %select_n3A_548 : vector<64x128xi1>, vector<64x128xf32>
    %select_n3A_669 = arith.select %broadcast_in_dim3A_651, %select_n3A_551, %select_n3A_550 : vector<64x128xi1>, vector<64x128xf32>
    %select_n3A_670 = arith.select %broadcast_in_dim3A_651, %select_n3A_553, %select_n3A_552 : vector<64x128xi1>, vector<64x128xf32>
    %select_n3A_671 = arith.select %broadcast_in_dim3A_651, %select_n3A_555, %select_n3A_554 : vector<64x128xi1>, vector<64x128xf32>
    %select_n3A_672 = arith.select %broadcast_in_dim3A_651, %select_n3A_557, %select_n3A_556 : vector<64x128xi1>, vector<64x128xf32>
    %select_n3A_673 = arith.select %broadcast_in_dim3A_651, %select_n3A_559, %select_n3A_558 : vector<64x128xi1>, vector<64x128xf32>
    %select_n3A_674 = arith.select %broadcast_in_dim3A_651, %select_n3A_561, %select_n3A_560 : vector<64x128xi1>, vector<64x128xf32>
    %select_n3A_675 = arith.select %broadcast_in_dim3A_651, %select_n3A_563, %select_n3A_562 : vector<64x128xi1>, vector<64x128xf32>
    %select_n3A_676 = arith.select %broadcast_in_dim3A_651, %select_n3A_565, %select_n3A_564 : vector<64x128xi1>, vector<64x128xf32>
    %select_n3A_677 = arith.select %broadcast_in_dim3A_651, %select_n3A_567, %select_n3A_566 : vector<64x128xi1>, vector<64x128xf32>
    %select_n3A_678 = arith.select %broadcast_in_dim3A_651, %select_n3A_569, %select_n3A_568 : vector<64x128xi1>, vector<64x128xf32>
    %select_n3A_679 = arith.select %broadcast_in_dim3A_651, %select_n3A_571, %select_n3A_570 : vector<64x128xi1>, vector<64x128xf32>
    %select_n3A_680 = arith.select %broadcast_in_dim3A_651, %select_n3A_573, %select_n3A_572 : vector<64x128xi1>, vector<64x128xf32>
    %select_n3A_681 = arith.select %broadcast_in_dim3A_651, %select_n3A_575, %select_n3A_574 : vector<64x128xi1>, vector<64x128xf32>
    %select_n3A_682 = arith.select %broadcast_in_dim3A_651, %select_n3A_577, %select_n3A_576 : vector<64x128xi1>, vector<64x128xf32>
    %select_n3A_683 = arith.select %broadcast_in_dim3A_651, %select_n3A_579, %select_n3A_578 : vector<64x128xi1>, vector<64x128xf32>
    %select_n3A_684 = arith.select %broadcast_in_dim3A_651, %select_n3A_581, %select_n3A_580 : vector<64x128xi1>, vector<64x128xf32>
    %select_n3A_685 = arith.select %broadcast_in_dim3A_651, %select_n3A_583, %select_n3A_582 : vector<64x128xi1>, vector<64x128xf32>
    %select_n3A_686 = arith.select %broadcast_in_dim3A_651, %select_n3A_585, %select_n3A_584 : vector<64x128xi1>, vector<64x128xf32>
    %select_n3A_687 = arith.select %broadcast_in_dim3A_651, %select_n3A_587, %select_n3A_586 : vector<64x128xi1>, vector<64x128xf32>
    %select_n3A_688 = arith.select %broadcast_in_dim3A_651, %select_n3A_589, %select_n3A_588 : vector<64x128xi1>, vector<64x128xf32>
    %select_n3A_689 = arith.select %broadcast_in_dim3A_651, %select_n3A_591, %select_n3A_590 : vector<64x128xi1>, vector<64x128xf32>
    %select_n3A_690 = arith.select %broadcast_in_dim3A_651, %select_n3A_593, %select_n3A_592 : vector<64x128xi1>, vector<64x128xf32>
    %select_n3A_691 = arith.select %broadcast_in_dim3A_651, %select_n3A_595, %select_n3A_594 : vector<64x128xi1>, vector<64x128xf32>
    %select_n3A_692 = arith.select %broadcast_in_dim3A_651, %select_n3A_597, %select_n3A_596 : vector<64x128xi1>, vector<64x128xf32>
    %select_n3A_693 = arith.select %broadcast_in_dim3A_651, %select_n3A_599, %select_n3A_598 : vector<64x128xi1>, vector<64x128xf32>
    %select_n3A_694 = arith.select %broadcast_in_dim3A_651, %select_n3A_601, %select_n3A_600 : vector<64x128xi1>, vector<64x128xf32>
    %select_n3A_695 = arith.select %broadcast_in_dim3A_651, %select_n3A_603, %select_n3A_602 : vector<64x128xi1>, vector<64x128xf32>
    %select_n3A_696 = arith.select %broadcast_in_dim3A_651, %select_n3A_605, %select_n3A_604 : vector<64x128xi1>, vector<64x128xf32>
    %select_n3A_697 = arith.select %broadcast_in_dim3A_651, %select_n3A_607, %select_n3A_606 : vector<64x128xi1>, vector<64x128xf32>
    %select_n3A_698 = arith.select %broadcast_in_dim3A_651, %select_n3A_609, %select_n3A_608 : vector<64x128xi1>, vector<64x128xf32>
    %select_n3A_699 = arith.select %broadcast_in_dim3A_651, %select_n3A_611, %select_n3A_610 : vector<64x128xi1>, vector<64x128xf32>
    %select_n3A_700 = arith.select %broadcast_in_dim3A_651, %select_n3A_613, %select_n3A_612 : vector<64x128xi1>, vector<64x128xf32>
    %select_n3A_701 = arith.select %broadcast_in_dim3A_651, %select_n3A_615, %select_n3A_614 : vector<64x128xi1>, vector<64x128xf32>
    %select_n3A_702 = arith.select %broadcast_in_dim3A_651, %select_n3A_617, %select_n3A_616 : vector<64x128xi1>, vector<64x128xf32>
    %select_n3A_703 = arith.select %broadcast_in_dim3A_651, %select_n3A_619, %select_n3A_618 : vector<64x128xi1>, vector<64x128xf32>
    %select_n3A_704 = arith.select %broadcast_in_dim3A_651, %select_n3A_621, %select_n3A_620 : vector<64x128xi1>, vector<64x128xf32>
    %select_n3A_705 = arith.select %broadcast_in_dim3A_651, %select_n3A_623, %select_n3A_622 : vector<64x128xi1>, vector<64x128xf32>
    %select_n3A_706 = arith.select %broadcast_in_dim3A_651, %select_n3A_625, %select_n3A_624 : vector<64x128xi1>, vector<64x128xf32>
    %select_n3A_707 = arith.select %broadcast_in_dim3A_651, %select_n3A_627, %select_n3A_626 : vector<64x128xi1>, vector<64x128xf32>
    %select_n3A_708 = arith.select %broadcast_in_dim3A_651, %select_n3A_629, %select_n3A_628 : vector<64x128xi1>, vector<64x128xf32>
    %select_n3A_709 = arith.select %broadcast_in_dim3A_651, %select_n3A_631, %select_n3A_630 : vector<64x128xi1>, vector<64x128xf32>
    %select_n3A_710 = arith.select %broadcast_in_dim3A_651, %select_n3A_633, %select_n3A_632 : vector<64x128xi1>, vector<64x128xf32>
    %select_n3A_711 = arith.select %broadcast_in_dim3A_651, %select_n3A_635, %select_n3A_634 : vector<64x128xi1>, vector<64x128xf32>
    %select_n3A_712 = arith.select %broadcast_in_dim3A_651, %select_n3A_637, %select_n3A_636 : vector<64x128xi1>, vector<64x128xf32>
    %select_n3A_713 = arith.select %broadcast_in_dim3A_651, %select_n3A_639, %select_n3A_638 : vector<64x128xi1>, vector<64x128xf32>
    %shift_right_logical3A_714 = arith.constant 9 : i32
    %shift_right_logical3A_715 = vector.broadcast %shift_right_logical3A_714 : i32 to vector<64x1xi32>
    %shift_right_logical3A_716 = arith.shrui %get3A_3, %shift_right_logical3A_715 : vector<64x1xi32>
    %and3A_717 = arith.constant 1 : i32
    %and3A_718 = vector.broadcast %and3A_717 : i32 to vector<64x1xi32>
    %and3A_719 = arith.andi %shift_right_logical3A_716, %and3A_718 : vector<64x1xi32>
    %eq3A_720 = arith.constant 1 : i32
    %eq3A_721 = vector.broadcast %eq3A_720 : i32 to vector<64x1xi32>
    %eq3A_722 = arith.cmpi eq, %and3A_719, %eq3A_721 : vector<64x1xi32>
    %broadcast_in_dim3A_723 = vector.shape_cast %eq3A_722 : vector<64x1xi1> to vector<64x1xi1>
    %broadcast_in_dim3A_724 = vector.broadcast %broadcast_in_dim3A_723 : vector<64x1xi1> to vector<64x128xi1>
    %select_n3A_725 = arith.select %broadcast_in_dim3A_724, %select_n3A_653, %select_n3A_652 : vector<64x128xi1>, vector<64x128xf32>
    %select_n3A_726 = arith.select %broadcast_in_dim3A_724, %select_n3A_655, %select_n3A_654 : vector<64x128xi1>, vector<64x128xf32>
    %select_n3A_727 = arith.select %broadcast_in_dim3A_724, %select_n3A_657, %select_n3A_656 : vector<64x128xi1>, vector<64x128xf32>
    %select_n3A_728 = arith.select %broadcast_in_dim3A_724, %select_n3A_659, %select_n3A_658 : vector<64x128xi1>, vector<64x128xf32>
    %select_n3A_729 = arith.select %broadcast_in_dim3A_724, %select_n3A_661, %select_n3A_660 : vector<64x128xi1>, vector<64x128xf32>
    %select_n3A_730 = arith.select %broadcast_in_dim3A_724, %select_n3A_663, %select_n3A_662 : vector<64x128xi1>, vector<64x128xf32>
    %select_n3A_731 = arith.select %broadcast_in_dim3A_724, %select_n3A_665, %select_n3A_664 : vector<64x128xi1>, vector<64x128xf32>
    %select_n3A_732 = arith.select %broadcast_in_dim3A_724, %select_n3A_667, %select_n3A_666 : vector<64x128xi1>, vector<64x128xf32>
    %select_n3A_733 = arith.select %broadcast_in_dim3A_724, %select_n3A_669, %select_n3A_668 : vector<64x128xi1>, vector<64x128xf32>
    %select_n3A_734 = arith.select %broadcast_in_dim3A_724, %select_n3A_671, %select_n3A_670 : vector<64x128xi1>, vector<64x128xf32>
    %select_n3A_735 = arith.select %broadcast_in_dim3A_724, %select_n3A_673, %select_n3A_672 : vector<64x128xi1>, vector<64x128xf32>
    %select_n3A_736 = arith.select %broadcast_in_dim3A_724, %select_n3A_675, %select_n3A_674 : vector<64x128xi1>, vector<64x128xf32>
    %select_n3A_737 = arith.select %broadcast_in_dim3A_724, %select_n3A_677, %select_n3A_676 : vector<64x128xi1>, vector<64x128xf32>
    %select_n3A_738 = arith.select %broadcast_in_dim3A_724, %select_n3A_679, %select_n3A_678 : vector<64x128xi1>, vector<64x128xf32>
    %select_n3A_739 = arith.select %broadcast_in_dim3A_724, %select_n3A_681, %select_n3A_680 : vector<64x128xi1>, vector<64x128xf32>
    %select_n3A_740 = arith.select %broadcast_in_dim3A_724, %select_n3A_683, %select_n3A_682 : vector<64x128xi1>, vector<64x128xf32>
    %select_n3A_741 = arith.select %broadcast_in_dim3A_724, %select_n3A_685, %select_n3A_684 : vector<64x128xi1>, vector<64x128xf32>
    %select_n3A_742 = arith.select %broadcast_in_dim3A_724, %select_n3A_687, %select_n3A_686 : vector<64x128xi1>, vector<64x128xf32>
    %select_n3A_743 = arith.select %broadcast_in_dim3A_724, %select_n3A_689, %select_n3A_688 : vector<64x128xi1>, vector<64x128xf32>
    %select_n3A_744 = arith.select %broadcast_in_dim3A_724, %select_n3A_691, %select_n3A_690 : vector<64x128xi1>, vector<64x128xf32>
    %select_n3A_745 = arith.select %broadcast_in_dim3A_724, %select_n3A_693, %select_n3A_692 : vector<64x128xi1>, vector<64x128xf32>
    %select_n3A_746 = arith.select %broadcast_in_dim3A_724, %select_n3A_695, %select_n3A_694 : vector<64x128xi1>, vector<64x128xf32>
    %select_n3A_747 = arith.select %broadcast_in_dim3A_724, %select_n3A_697, %select_n3A_696 : vector<64x128xi1>, vector<64x128xf32>
    %select_n3A_748 = arith.select %broadcast_in_dim3A_724, %select_n3A_699, %select_n3A_698 : vector<64x128xi1>, vector<64x128xf32>
    %select_n3A_749 = arith.select %broadcast_in_dim3A_724, %select_n3A_701, %select_n3A_700 : vector<64x128xi1>, vector<64x128xf32>
    %select_n3A_750 = arith.select %broadcast_in_dim3A_724, %select_n3A_703, %select_n3A_702 : vector<64x128xi1>, vector<64x128xf32>
    %select_n3A_751 = arith.select %broadcast_in_dim3A_724, %select_n3A_705, %select_n3A_704 : vector<64x128xi1>, vector<64x128xf32>
    %select_n3A_752 = arith.select %broadcast_in_dim3A_724, %select_n3A_707, %select_n3A_706 : vector<64x128xi1>, vector<64x128xf32>
    %select_n3A_753 = arith.select %broadcast_in_dim3A_724, %select_n3A_709, %select_n3A_708 : vector<64x128xi1>, vector<64x128xf32>
    %select_n3A_754 = arith.select %broadcast_in_dim3A_724, %select_n3A_711, %select_n3A_710 : vector<64x128xi1>, vector<64x128xf32>
    %select_n3A_755 = arith.select %broadcast_in_dim3A_724, %select_n3A_713, %select_n3A_712 : vector<64x128xi1>, vector<64x128xf32>
    %shift_right_logical3A_756 = arith.constant 10 : i32
    %shift_right_logical3A_757 = vector.broadcast %shift_right_logical3A_756 : i32 to vector<64x1xi32>
    %shift_right_logical3A_758 = arith.shrui %get3A_3, %shift_right_logical3A_757 : vector<64x1xi32>
    %and3A_759 = arith.constant 1 : i32
    %and3A_760 = vector.broadcast %and3A_759 : i32 to vector<64x1xi32>
    %and3A_761 = arith.andi %shift_right_logical3A_758, %and3A_760 : vector<64x1xi32>
    %eq3A_762 = arith.constant 1 : i32
    %eq3A_763 = vector.broadcast %eq3A_762 : i32 to vector<64x1xi32>
    %eq3A_764 = arith.cmpi eq, %and3A_761, %eq3A_763 : vector<64x1xi32>
    %broadcast_in_dim3A_765 = vector.shape_cast %eq3A_764 : vector<64x1xi1> to vector<64x1xi1>
    %broadcast_in_dim3A_766 = vector.broadcast %broadcast_in_dim3A_765 : vector<64x1xi1> to vector<64x128xi1>
    %select_n3A_767 = arith.select %broadcast_in_dim3A_766, %select_n3A_726, %select_n3A_725 : vector<64x128xi1>, vector<64x128xf32>
    %select_n3A_768 = arith.select %broadcast_in_dim3A_766, %select_n3A_728, %select_n3A_727 : vector<64x128xi1>, vector<64x128xf32>
    %select_n3A_769 = arith.select %broadcast_in_dim3A_766, %select_n3A_730, %select_n3A_729 : vector<64x128xi1>, vector<64x128xf32>
    %select_n3A_770 = arith.select %broadcast_in_dim3A_766, %select_n3A_732, %select_n3A_731 : vector<64x128xi1>, vector<64x128xf32>
    %select_n3A_771 = arith.select %broadcast_in_dim3A_766, %select_n3A_734, %select_n3A_733 : vector<64x128xi1>, vector<64x128xf32>
    %select_n3A_772 = arith.select %broadcast_in_dim3A_766, %select_n3A_736, %select_n3A_735 : vector<64x128xi1>, vector<64x128xf32>
    %select_n3A_773 = arith.select %broadcast_in_dim3A_766, %select_n3A_738, %select_n3A_737 : vector<64x128xi1>, vector<64x128xf32>
    %select_n3A_774 = arith.select %broadcast_in_dim3A_766, %select_n3A_740, %select_n3A_739 : vector<64x128xi1>, vector<64x128xf32>
    %select_n3A_775 = arith.select %broadcast_in_dim3A_766, %select_n3A_742, %select_n3A_741 : vector<64x128xi1>, vector<64x128xf32>
    %select_n3A_776 = arith.select %broadcast_in_dim3A_766, %select_n3A_744, %select_n3A_743 : vector<64x128xi1>, vector<64x128xf32>
    %select_n3A_777 = arith.select %broadcast_in_dim3A_766, %select_n3A_746, %select_n3A_745 : vector<64x128xi1>, vector<64x128xf32>
    %select_n3A_778 = arith.select %broadcast_in_dim3A_766, %select_n3A_748, %select_n3A_747 : vector<64x128xi1>, vector<64x128xf32>
    %select_n3A_779 = arith.select %broadcast_in_dim3A_766, %select_n3A_750, %select_n3A_749 : vector<64x128xi1>, vector<64x128xf32>
    %select_n3A_780 = arith.select %broadcast_in_dim3A_766, %select_n3A_752, %select_n3A_751 : vector<64x128xi1>, vector<64x128xf32>
    %select_n3A_781 = arith.select %broadcast_in_dim3A_766, %select_n3A_754, %select_n3A_753 : vector<64x128xi1>, vector<64x128xf32>
    %select_n3A_782 = arith.select %broadcast_in_dim3A_766, %select_n3A_640, %select_n3A_755 : vector<64x128xi1>, vector<64x128xf32>
    %shift_right_logical3A_783 = arith.constant 11 : i32
    %shift_right_logical3A_784 = vector.broadcast %shift_right_logical3A_783 : i32 to vector<64x1xi32>
    %shift_right_logical3A_785 = arith.shrui %get3A_3, %shift_right_logical3A_784 : vector<64x1xi32>
    %and3A_786 = arith.constant 1 : i32
    %and3A_787 = vector.broadcast %and3A_786 : i32 to vector<64x1xi32>
    %and3A_788 = arith.andi %shift_right_logical3A_785, %and3A_787 : vector<64x1xi32>
    %eq3A_789 = arith.constant 1 : i32
    %eq3A_790 = vector.broadcast %eq3A_789 : i32 to vector<64x1xi32>
    %eq3A_791 = arith.cmpi eq, %and3A_788, %eq3A_790 : vector<64x1xi32>
    %broadcast_in_dim3A_792 = vector.shape_cast %eq3A_791 : vector<64x1xi1> to vector<64x1xi1>
    %broadcast_in_dim3A_793 = vector.broadcast %broadcast_in_dim3A_792 : vector<64x1xi1> to vector<64x128xi1>
    %select_n3A_794 = arith.select %broadcast_in_dim3A_793, %select_n3A_768, %select_n3A_767 : vector<64x128xi1>, vector<64x128xf32>
    %select_n3A_795 = arith.select %broadcast_in_dim3A_793, %select_n3A_770, %select_n3A_769 : vector<64x128xi1>, vector<64x128xf32>
    %select_n3A_796 = arith.select %broadcast_in_dim3A_793, %select_n3A_772, %select_n3A_771 : vector<64x128xi1>, vector<64x128xf32>
    %select_n3A_797 = arith.select %broadcast_in_dim3A_793, %select_n3A_774, %select_n3A_773 : vector<64x128xi1>, vector<64x128xf32>
    %select_n3A_798 = arith.select %broadcast_in_dim3A_793, %select_n3A_776, %select_n3A_775 : vector<64x128xi1>, vector<64x128xf32>
    %select_n3A_799 = arith.select %broadcast_in_dim3A_793, %select_n3A_778, %select_n3A_777 : vector<64x128xi1>, vector<64x128xf32>
    %select_n3A_800 = arith.select %broadcast_in_dim3A_793, %select_n3A_780, %select_n3A_779 : vector<64x128xi1>, vector<64x128xf32>
    %select_n3A_801 = arith.select %broadcast_in_dim3A_793, %select_n3A_782, %select_n3A_781 : vector<64x128xi1>, vector<64x128xf32>
    %shift_right_logical3A_802 = arith.constant 12 : i32
    %shift_right_logical3A_803 = vector.broadcast %shift_right_logical3A_802 : i32 to vector<64x1xi32>
    %shift_right_logical3A_804 = arith.shrui %get3A_3, %shift_right_logical3A_803 : vector<64x1xi32>
    %and3A_805 = arith.constant 1 : i32
    %and3A_806 = vector.broadcast %and3A_805 : i32 to vector<64x1xi32>
    %and3A_807 = arith.andi %shift_right_logical3A_804, %and3A_806 : vector<64x1xi32>
    %eq3A_808 = arith.constant 1 : i32
    %eq3A_809 = vector.broadcast %eq3A_808 : i32 to vector<64x1xi32>
    %eq3A_810 = arith.cmpi eq, %and3A_807, %eq3A_809 : vector<64x1xi32>
    %broadcast_in_dim3A_811 = vector.shape_cast %eq3A_810 : vector<64x1xi1> to vector<64x1xi1>
    %broadcast_in_dim3A_812 = vector.broadcast %broadcast_in_dim3A_811 : vector<64x1xi1> to vector<64x128xi1>
    %select_n3A_813 = arith.select %broadcast_in_dim3A_812, %select_n3A_795, %select_n3A_794 : vector<64x128xi1>, vector<64x128xf32>
    %select_n3A_814 = arith.select %broadcast_in_dim3A_812, %select_n3A_797, %select_n3A_796 : vector<64x128xi1>, vector<64x128xf32>
    %select_n3A_815 = arith.select %broadcast_in_dim3A_812, %select_n3A_799, %select_n3A_798 : vector<64x128xi1>, vector<64x128xf32>
    %select_n3A_816 = arith.select %broadcast_in_dim3A_812, %select_n3A_801, %select_n3A_800 : vector<64x128xi1>, vector<64x128xf32>
    %shift_right_logical3A_817 = arith.constant 13 : i32
    %shift_right_logical3A_818 = vector.broadcast %shift_right_logical3A_817 : i32 to vector<64x1xi32>
    %shift_right_logical3A_819 = arith.shrui %get3A_3, %shift_right_logical3A_818 : vector<64x1xi32>
    %and3A_820 = arith.constant 1 : i32
    %and3A_821 = vector.broadcast %and3A_820 : i32 to vector<64x1xi32>
    %and3A_822 = arith.andi %shift_right_logical3A_819, %and3A_821 : vector<64x1xi32>
    %eq3A_823 = arith.constant 1 : i32
    %eq3A_824 = vector.broadcast %eq3A_823 : i32 to vector<64x1xi32>
    %eq3A_825 = arith.cmpi eq, %and3A_822, %eq3A_824 : vector<64x1xi32>
    %broadcast_in_dim3A_826 = vector.shape_cast %eq3A_825 : vector<64x1xi1> to vector<64x1xi1>
    %broadcast_in_dim3A_827 = vector.broadcast %broadcast_in_dim3A_826 : vector<64x1xi1> to vector<64x128xi1>
    %select_n3A_828 = arith.select %broadcast_in_dim3A_827, %select_n3A_814, %select_n3A_813 : vector<64x128xi1>, vector<64x128xf32>
    %select_n3A_829 = arith.select %broadcast_in_dim3A_827, %select_n3A_816, %select_n3A_815 : vector<64x128xi1>, vector<64x128xf32>
    %shift_right_logical3A_830 = arith.constant 14 : i32
    %shift_right_logical3A_831 = vector.broadcast %shift_right_logical3A_830 : i32 to vector<64x1xi32>
    %shift_right_logical3A_832 = arith.shrui %get3A_3, %shift_right_logical3A_831 : vector<64x1xi32>
    %and3A_833 = arith.constant 1 : i32
    %and3A_834 = vector.broadcast %and3A_833 : i32 to vector<64x1xi32>
    %and3A_835 = arith.andi %shift_right_logical3A_832, %and3A_834 : vector<64x1xi32>
    %eq3A_836 = arith.constant 1 : i32
    %eq3A_837 = vector.broadcast %eq3A_836 : i32 to vector<64x1xi32>
    %eq3A_838 = arith.cmpi eq, %and3A_835, %eq3A_837 : vector<64x1xi32>
    %broadcast_in_dim3A_839 = vector.shape_cast %eq3A_838 : vector<64x1xi1> to vector<64x1xi1>
    %broadcast_in_dim3A_840 = vector.broadcast %broadcast_in_dim3A_839 : vector<64x1xi1> to vector<64x128xi1>
    %select_n3A_841 = arith.select %broadcast_in_dim3A_840, %select_n3A_829, %select_n3A_828 : vector<64x128xi1>, vector<64x128xf32>
    %swap3A = arith.constant 0 : index
    %swap3A_842 = arith.constant 0 : index
    %swap3A_843 = vector.load %arg5[%swap3A, %swap3A_842] : memref<64x128xf32, #tpu.memory_space<vmem>>, vector<64x128xf32>
    tpu.vector_store %arg5[%swap3A, %swap3A_842], %select_n3A_841 {strides = array<i32>} : memref<64x128xf32, #tpu.memory_space<vmem>>, vector<64x128xf32>,
    %reduce_sum3A = arith.constant dense<0.000000e+00> : vector<64xf32>
    %reduce_sum3A_844 = vector.multi_reduction <add>, %add3A_508, %reduce_sum3A [1] : vector<64x128xf32> to vector<64xf32>
    %broadcast_in_dim3A_845 = vector.shape_cast %reduce_sum3A_844 : vector<64xf32> to vector<64x1xf32>
    %slice3A_846 = vector.extract_strided_slice %get3A_11 {offsets = [0, 0], sizes = [64, 1], strides = [1, 1]} : vector<64x32000xf32> to vector<64x1xf32>
    %reduce_sum3A_847 = vector.shape_cast %convert_element_type3A_8 : vector<64x1xf32> to vector<1x64x1xf32>
    %reduce_sum3A_848 = arith.constant dense<0.000000e+00> : vector<1xf32>
    %reduce_sum3A_849 = vector.multi_reduction <add>, %reduce_sum3A_847, %reduce_sum3A_848 [1, 2] : vector<1x64x1xf32> to vector<1xf32>
    %reduce_sum3A_850 = vector.shape_cast %reduce_sum3A_849 : vector<1xf32> to vector<1x1x1xf32>
    %reduce_sum3A_851 = vector.extract %reduce_sum3A_850[0, 0, 0] : f32 from vector<1x1x1xf32>
    %mul3A = arith.constant -1.3624258 : f32
    %mul3A_852 = arith.mulf %mul3A, %reduce_sum3A_851 : f32
    %sub3A = arith.subf %broadcast_in_dim3A_845, %slice3A_846 : vector<64x1xf32>
    %mul3A_853 = arith.mulf %convert_element_type3A_8, %sub3A : vector<64x1xf32>
    %reduce_sum3A_854 = vector.shape_cast %mul3A_853 : vector<64x1xf32> to vector<1x64x1xf32>
    %reduce_sum3A_855 = arith.constant dense<0.000000e+00> : vector<1xf32>
    %reduce_sum3A_856 = vector.multi_reduction <add>, %reduce_sum3A_854, %reduce_sum3A_855 [1, 2] : vector<1x64x1xf32> to vector<1xf32>
    %reduce_sum3A_857 = vector.shape_cast %reduce_sum3A_856 : vector<1xf32> to vector<1x1x1xf32>
    %reduce_sum3A_858 = vector.extract %reduce_sum3A_857[0, 0, 0] : f32 from vector<1x1x1xf32>
    %mul3A_859 = arith.constant 3.12519524E-6 : f32
    %mul3A_860 = arith.mulf %mul3A_859, %reduce_sum3A_858 : f32
    %sub3A_861 = arith.subf %mul3A_852, %mul3A_860 : f32
    %get3A_862 = arith.constant 0 : index
    %get3A_863 = arith.constant 0 : index
    %get3A_864 = memref.load %arg3[%get3A_862, %get3A_863] : memref<1x1xf32, #tpu.memory_space<smem>>
    %add3A_865 = arith.addf %get3A_864, %sub3A_861 : f32
    %swap3A_866 = arith.constant 0 : index
    %swap3A_867 = arith.constant 0 : index
    %swap3A_868 = memref.load %arg3[%swap3A_866, %swap3A_867] : memref<1x1xf32, #tpu.memory_space<smem>>
    memref.store %add3A_865, %arg3[%swap3A_866, %swap3A_867] : memref<1x1xf32, #tpu.memory_space<smem>>
    %get3A_869 = arith.constant 0 : index
    %get3A_870 = arith.constant 0 : index
    %get3A_871 = memref.load %arg4[%get3A_869, %get3A_870] : memref<1x1xi32, #tpu.memory_space<smem>>
    %reduce_sum3A_872 = vector.shape_cast %convert_element_type3A_6 : vector<64x1xi32> to vector<1x64x1xi32>
    %reduce_sum3A_873 = arith.constant dense<0> : vector<1xi32>
    %reduce_sum3A_874 = vector.multi_reduction <add>, %reduce_sum3A_872, %reduce_sum3A_873 [1, 2] : vector<1x64x1xi32> to vector<1xi32>
    %reduce_sum3A_875 = vector.shape_cast %reduce_sum3A_874 : vector<1xi32> to vector<1x1x1xi32>
    %reduce_sum3A_876 = vector.extract %reduce_sum3A_875[0, 0, 0] : i32 from vector<1x1x1xi32>
    %add3A_877 = arith.addi %get3A_871, %reduce_sum3A_876 : i32
    %swap3A_878 = arith.constant 0 : index
    %swap3A_879 = arith.constant 0 : index
    %swap3A_880 = memref.load %arg4[%swap3A_878, %swap3A_879] : memref<1x1xi32, #tpu.memory_space<smem>>
    memref.store %add3A_877, %arg4[%swap3A_878, %swap3A_879] : memref<1x1xi32, #tpu.memory_space<smem>>
    return
  }
  func.func @transform_0(%arg0: i32) -> (i32, i32) {
    %c0_i32 = arith.constant 0 : i32
    %c0_i32_0 = arith.constant 0 : i32
    return %arg0, %c0_i32 : i32, i32
  }
  func.func @transform_1(%arg0: i32) -> (i32, i32) {
    %c0_i32 = arith.constant 0 : i32
    %c0_i32_0 = arith.constant 0 : i32
    return %arg0, %c0_i32 : i32, i32
  }
  func.func @transform_2(%arg0: i32) -> (i32, i32) {
    %c0_i32 = arith.constant 0 : i32
    %c0_i32_0 = arith.constant 0 : i32
    %c0_i32_1 = arith.constant 0 : i32
    return %c0_i32, %c0_i32_0 : i32, i32
  }
  func.func @transform_3(%arg0: i32) -> (i32, i32) {
    %c0_i32 = arith.constant 0 : i32
    %c0_i32_0 = arith.constant 0 : i32
    %c0_i32_1 = arith.constant 0 : i32
    return %c0_i32, %c0_i32_0 : i32, i32
  }
  func.func @transform_4(%arg0: i32) -> (i32, i32) {
    %c0_i32 = arith.constant 0 : i32
    %c0_i32_0 = arith.constant 0 : i32
    return %arg0, %c0_i32 : i32, i32
  }
}

</mosaic_0001>

<sc_bundles>
// kernel: kernel.4.cloned.1.call-start
scs
__scs_entry_jumppad:
0x0: {  	(pc) =	sbr.rel $0x88, $3  }
0x1: {  	(tag) =	ssettag $0x0;
	lr =	simm.s32 $0x1  }
0x2: {  	[smem:$0x3F9F] =	sst lr;
	_ =	strace $0xD0000000  }
0x3: {  	_ = 	snop  }
0x4: {  	_ = 	snop  }
0x5: {  	_ = 	snop  }
0x6: {  	_ = 	snop  }
0x7: {  	_ = 	snop  }
__scs_overlays_trampoline_lowered:
0x8: {  	[smem:$0x3FAE] =	sst s0  }
0x9: {  	[smem:$0x3FAF] =	sst s1  }
0xa: {  	[smem:$0x3FB0] =	sst s2  }
0xb: {  	[smem:$0x3FB1] =	sst s3  }
0xc: {  	[smem:$0x3FB2] =	sst s4  }
0xd: {  	[smem:$0x3FB3] =	sst s5  }
0xe: {  	[smem:$0x3FB4] =	sst s6  }
0xf: {  	[smem:$0x3FB5] =	sst s7  }
0x10: {  	[smem:$0x3FB6] =	sst s8  }
0x11: {  	[smem:$0x3FB7] =	sst s9;
	s0 =	simm.s32 @!p0 $0x0  }
0x12: {  	s1 =	sld [smem:$0x3F9D];
	s0 =	simm.s32 @p0 $0x1  }
0x13: {  	[smem:$0x3FB8] =	sst s0;
	s0 =	simm.s32 @!p1 $0x0  }
0x14: {  	s2 =	sld [smem:$0x3F9C];
	s0 =	simm.s32 @p1 $0x1  }
0x15: {  	[smem:$0x3FB9] =	sst s0;
	s0 =	simm.s32 @!p2 $0x0  }
0x16: {  	s3 =	sld [smem:$0x3FDB];
	s0 =	simm.s32 @p2 $0x1  }
0x17: {  	s4 =	simm.s32 $0x1BF5;
	[smem:$0x3FBB] =	sst s0  }
0x18: {  	s0 =	sld [smem:$0x3F9E];
	_ =	swait.ge [sflag:s4], $0x0  }
0x19: {  	s7 =	sld [smem:$0x3F9F]  }
0x1a: {  	s8 =	sadd.s32 $0xFFFFE003, lr  }
0x1b: {  	s9 =	sadd.s32 $0xFFFFFEF7, lr;
	s5 =	simm.s32 $0xFFFFFFFF;
	p2 =	slt.u32 s8, $0xFFFFF086  }
0x1c: {  	p1 =	slt.u32 s9, $0xF7A;
	s5 =	simm.s32 @!p2 $0x0  }
0x1d: {  	s5 =	simm.s32 @p1 $0x1;
	p0 =	seq.s32 s7, s2  }
0x1e: {  	s7 =	smul.u32 @!p0 $0xF7A, s2;
	p2 =	seq.s32 @!p0 s5, $0x0  }
0x1f: {  	s9 =	smul.u32 $0xF7A, s1;
	s8 =	simm.s32 @!p0 $0x1BF5;
	p2 =	por !p2, p0  }
0x20: {  	[sflag:s8] =	ssyncset.s32 @!p0 $0xFFFFF086;
	s6 =	sadd.s32 @!p0 s3, s7;
	s7 =	simm.s32 @!p0 $0x108  }
0x21: {  	s3 =	sadd.s32 s3, s9;
	s6 =	sadd.s32 @!p0 $0x88, s6;
	s7 =	simm.s32 @p2 $0x1082  }
0x22: {  	[simem:s7], [sflag:s8] =	dma.local @!p0 [hbm:s6], $0xF7A  }
0x23: {  	s9 =	sor.u32 $0xD0000000, s2;
	s6 =	simm.s32 $0x108;
	_ =	swait.ge @!p0 [sflag:s8], $0x0  }
0x24: {  	s3 =	sadd.s32 $0x88, s3;
	s6 =	simm.s32 @!p1 $0x1082;
	[sflag:s4] =	ssyncset.s32 $0xFFFFF086  }
0x25: {  	[simem:s6], [sflag:s4] =	dma.local [hbm:s3], $0xF7A  }
0x26: {  	[smem:$0x3F9F] =	sst s1;
	(tag) =	ssettag s2;
	_ =	strace s9  }
0x27: {  	s1 =	sld [smem:$0x3FAF]  }
0x28: {  	s2 =	sld [smem:$0x3FB0]  }
0x29: {  	s4 =	sld [smem:$0x3FB2]  }
0x2a: {  	p0 =	seq.s32 s5, $0x0;
	s5 =	sld [smem:$0x3FB3]  }
0x2b: {  	s6 =	sld [smem:$0x3FB4]  }
0x2c: {  	s7 =	sld [smem:$0x3FB5]  }
0x2d: {  	s3 =	simm.s32 $0x108;
	s8 =	sld [smem:$0x3FB6]  }
0x2e: {  	s3 =	simm.s32 @!p0 $0x1082;
	s9 =	sld [smem:$0x3FB7]  }
0x2f: {  	lr =	sadd.s32 s0, s3;
	s0 =	sld [smem:$0x3FAE]  }
0x30: {  	s3 =	sld [smem:$0x3FB1]  }
0x31: {  	[smem:$0x3FBA] =	sst s10  }
0x32: {  	s10 =	sld [smem:$0x3FB8];
	_ =	sdelay $0x3  }
0x33: {  	p0 =	seq.s32 s10, $0x1;
	s10 =	sld [smem:$0x3FBA];
	_ =	sdelay $0x3  }
0x34: {  	[smem:$0x3FBA] =	sst s10  }
0x35: {  	s10 =	sld [smem:$0x3FB9];
	_ =	sdelay $0x3  }
0x36: {  	p1 =	seq.s32 s10, $0x1;
	s10 =	sld [smem:$0x3FBA];
	_ =	sdelay $0x3  }
0x37: {  	[smem:$0x3FBA] =	sst s10  }
0x38: {  	s10 =	sld [smem:$0x3FBB]  }
0x39: {  	_ = 	snop;
	(pc) =	sbr.ind lr, $3  }
0x3a: {  	_ = 	snop  }
0x3b: {  	_ = 	snop  }
0x3c: {  	p2 =	seq.s32 s10, $0x1;
	s10 =	sld [smem:$0x3FBA]  }
0x3d: {  	_ =	shalt  }
0x3e: {  	_ =	shalt  }
0x3f: {  	_ =	shalt  }
0x40: {  	_ =	shalt  }
0x41: {  	_ =	shalt  }
0x42: {  	_ =	shalt  }
0x43: {  	_ =	shalt  }
0x44: {  	_ =	shalt  }
0x45: {  	_ =	shalt  }
0x46: {  	_ =	shalt  }
0x47: {  	_ =	shalt  }
0x48: {  	_ =	shalt  }
0x49: {  	_ =	shalt  }
0x4a: {  	_ =	shalt  }
0x4b: {  	_ =	shalt  }
0x4c: {  	_ =	shalt  }
0x4d: {  	_ =	shalt  }
0x4e: {  	_ =	shalt  }
0x4f: {  	_ =	shalt  }
0x50: {  	_ =	shalt  }
0x51: {  	_ =	shalt  }
0x52: {  	_ =	shalt  }
0x53: {  	_ =	shalt  }
0x54: {  	_ =	shalt  }
0x55: {  	_ =	shalt  }
0x56: {  	_ =	shalt  }
0x57: {  	_ =	shalt  }
0x58: {  	_ =	shalt  }
0x59: {  	_ =	shalt  }
0x5a: {  	_ =	shalt  }
0x5b: {  	_ =	shalt  }
0x5c: {  	_ =	shalt  }
0x5d: {  	_ =	shalt  }
0x5e: {  	_ =	shalt  }
0x5f: {  	_ =	shalt  }
0x60: {  	_ =	shalt  }
0x61: {  	_ =	shalt  }
0x62: {  	_ =	shalt  }
0x63: {  	_ =	shalt  }
0x64: {  	_ =	shalt  }
0x65: {  	_ =	shalt  }
0x66: {  	_ =	shalt  }
0x67: {  	_ =	shalt  }
0x68: {  	_ =	shalt  }
0x69: {  	_ =	shalt  }
0x6a: {  	_ =	shalt  }
0x6b: {  	_ =	shalt  }
0x6c: {  	_ =	shalt  }
0x6d: {  	_ =	shalt  }
0x6e: {  	_ =	shalt  }
0x6f: {  	_ =	shalt  }
0x70: {  	_ =	shalt  }
0x71: {  	_ =	shalt  }
0x72: {  	_ =	shalt  }
0x73: {  	_ =	shalt  }
0x74: {  	_ =	shalt  }
0x75: {  	_ =	shalt  }
0x76: {  	_ =	shalt  }
0x77: {  	_ =	shalt  }
0x78: {  	_ =	shalt  }
0x79: {  	_ =	shalt  }
0x7a: {  	_ =	shalt  }
0x7b: {  	_ =	shalt  }
0x7c: {  	_ =	shalt  }
0x7d: {  	_ =	shalt  }
0x7e: {  	_ =	shalt  }
0x7f: {  	_ =	shalt  }
0x80: {  	_ =	shalt  }
0x81: {  	_ =	shalt  }
0x82: {  	_ =	shalt  }
0x83: {  	_ =	shalt  }
0x84: {  	_ =	shalt  }
0x85: {  	_ =	shalt  }
0x86: {  	_ =	shalt  }
0x87: {  	_ =	shalt  }
.Lfunc_end0:
.L_simem_size_0:
called_computation_lowered:
.L_overlay_start_0:
0x88: {  	s2 =	sld [smem:$0x3FD9]  }
0x89: {  	s3 =	sld [smem:$0x3FFE];
	_ =	sdelay $0x1  }
0x8a: {  	s1 =	srdreg.scid  }
0x8b: {  	s0 =	sand.u32 $0x1, s1  }
0x8c: {  	s17 =	sshll.u32 s0, $0xA;
	s2 =	sadd.s32 s3, s2  }
0x8d: {  	s2 =	sadd.s32 s2, s17  }
0x8e: {  	[smem:$0x3FC6] =	sst s2  }
0x8f: {  	_ = 	snop  }
0x90: {  	s2 =	sld [smem:$0x3FC8];
	(tm) =	ssettm $0x1  }
0x91: {  	s18 =	sld [smem:$0x3FFB];
	_ =	sdelay $0x3  }
0x92: {  	_ =	strace s18  }
0x93: {  	s3 =	sld [smem:$0x3FFC];
	_ =	sdelay $0x3  }
0x94: {  	_ =	strace s3  }
0x95: {  	s3 =	sld [smem:$0x3FFD];
	_ =	sdelay $0x3  }
0x96: {  	_ =	strace s3  }
0x97: {  	_ =	strace $0x8FFFFFFF  }
0x98: {  	s19 =	sld [smem:$0x3FDB];
	_ =	sdelay $0x1  }
0x99: {  	s4 =	simm.s32 $_scs_section_size  }
0x9a: {  	s5 =	simm.s32 $_size__tile_overlayer_lowered;
	s6 =	simm.s32 $_tile_overlayer_lowered  }
0x9b: {  	s22 =	simm.s32 $0x1BFF;
	s21 =	sshll.u32 s6, $0x1;
	s3 =	sadd.s32 s4, s19  }
0x9c: {  	s7 =	simm.s32 $0x0;
	s20 =	sshll.u32 s5, $0x1;
	s5 =	sadd.s32 s21, s3  }
0x9d: {  	[timem:s7], [sflag:s22] =	dma.local [hbm:s5], s20  }
0x9e: {  	_ =	swait.ge [sflag:s22], s20  }
0x9f: {  	s4 =	ssub.s32 $0x0, s20;
	[sflag:s22] =	ssyncset.done $0x0  }
0xa0: {  	[sflag:s22] =	ssyncadd.s32 s4;
	_ =	sdelay $0x1  }
0xa1: {  	s23 =	simm.s32 $0x1B8B  }
0xa2: {  	_ =	swait.ge [sflag:s23], $0x1  }
0xa3: {  	[sflag:s23] =	ssyncset.done $0x0  }
0xa4: {  	s25 =	simm.s32 $0x1B8E;
	s24 =	sld [smem:$0x3FFE];
	[sflag:s23] =	ssyncadd.s32 $0xFFFFFFFF  }
0xa5: {  	s26 =	simm.s32 $execute0_lowered;
	[smem:$0x3FD2] =	sst s25  }
0xa6: {  	s5 =	sshll.u32 s26, $0x1;
	_ =	strace $0x80000046;
	[dreg:$0x1] =	wrdreg $0xFFFFFFFF  }
0xa7: {  	s28 =	simm.s32 $_size_execute0_lowered;
	s3 =	sadd.s32 s3, s5;
	[dreg:$0x0] =	wrdreg $0x0  }
0xa8: {  	s5 =	sshll.u32 s28, $0x1;
	[dreg:$0x2] =	wrdreg s3  }
0xa9: {  	[dreg:$0x3] =	wrdreg s5  }
0xaa: {  	[dreg:$0x4] =	wrdreg $0xC0  }
0xab: {  	_ =	task [dreg:s7], $0x5FFFF  }
0xac: {  	[dreg:$0x1] =	wrdreg $0xFFFFFFFF  }
0xad: {  	[dreg:$0x0] =	wrdreg $0x60  }
0xae: {  	[dreg:$0x2] =	wrdreg s24  }
0xaf: {  	[dreg:$0x3] =	wrdreg s2  }
0xb0: {  	[dreg:$0x4] =	wrdreg $0x9  }
0xb1: {  	_ =	task.clear_ibuf [dreg:s7], $0x5FFFF;
	_ =	strace $0x90000046  }
0xb2: {  	s29 =	simm.s32 $0x9;
	_ =	strace $0x80000048  }
0xb3: {  	_ =	swait.ge [sflag:s29], $0x1  }
0xb4: {  	[sflag:s29] =	ssyncadd.s32 $0xFFFFFFFF  }
0xb5: {  	_ =	strace $0x90000048  }
0xb6: {  	_ =	sfence  }
0xb7: {  	s30 =	sld [smem:$0x0];
	_ =	sdelay $0x2  }
0xb8: {  	s31 =	sshll.u32 s1, $0xD;
	s1 =	sshrl.u32 s1, $0x2  }
0xb9: {  	s3 =	sand.u32 $0x4000, s31;
	s1 =	sadd.s32 s1, s30  }
0xba: {  	s0 =	sor.u32 s3, s0;
	s1 =	sshll.u32 s1, $0x11  }
0xbb: {  	s0 =	sor.u32 s1, s0  }
0xbc: {  	s0 =	sadd.s32 $0x8F2B, s0  }
0xbd: {  	[sflag:s0] =	ssyncadd.remote.s32 $0x1  }
0xbe: {  	_ =	sfence.sel $0xFFFF  }
0xbf: {  	[dreg:$0x0] =	wrdreg $0xFFFFFFFF;
	(pc) =	sbr.abs _section_cstart, $3  }
0xc0: {  	[dreg:$0x1] =	wrdreg $0xFFFFFFFF  }
0xc1: {  	_ =	task.clear_ibuf [dreg:s7], $0x2FFFF;
	_ =	strace $0x9FFFFFFF  }
0xc2: {  	(tm) =	ssettm $0x7FFFFFFF  }
0xc3: {  	_ =	shalt  }
tec
execute0_lowered:
.L_overlay_start_1:
0x0: {  	(tag) =	ssettag $0x1  }
0x1: {  	s8 =	rddreg [dreg:$0x0]  }
0x2: {  	s4 =	srdreg.scid;
	s1 =	stileid.u32  }
0x3: {  	s3 =	rddreg [dreg:$0x1];
	s9 =	sand.u32 $0x1, s4;
	s30 =	sshll.u32 s1, $0x1  }
0x4: {  	s0 =	rddreg [dreg:$0x2];
	s2 =	simm.s32 $0x0;
	s10 =	sor.u32 s9, s30  }
0x5: {  	[smem:$0x7FF] =	sst s2;
	s4 =	sshll.u32 s10, $0x4  }
0x6: {  	_ =	strace $0x80000047;
	s4 =	sadd.s32 s3, s4;
	s3 =	simm.s32 $0x2  }
0x7: {  	[tilespmem:s2], [sflag:$0x2] =	stream.linear.gather [hbm4b:s4+s2], $0x80, $0x38;
	[tilespmem:$0x4100] =	vst v63  }
0x8: {  	s5 =	sshll.u32 s10, $0xB;
	_ =	swait.ge [sflag:s3], $0x80  }
0x9: {  	s6 =	simm.s32 $0x80;
	s5 =	sadd.s32 s5, s8;
	[sflag:s3] =	ssyncset.done $0x0  }
0xa: {  	s7 =	simm.s32 $0x1;
	s5 =	sadd.s32 $0x400, s5;
	[sflag:s3] =	ssyncadd.s32 $0xFFFFFF80  }
0xb: {  	[tilespmem:s6], [sflag:$0x1] =	stream.linear.gather [hbm4b:s5+s2], $0x4000, $0x38;
	[tilespmem:$0x4100] =	vst v63  }
0xc: {  	_ =	swait.ge [sflag:s7], $0x4000  }
0xd: {  	[sflag:s7] =	ssyncset.done $0x0  }
0xe: {  	[sflag:s7] =	ssyncadd.s32 $0xFFFFC000  }
0xf: {  	v8 =	vld [tilespmem:$0x0];
	_ =	sdelay $0x1  }
0x10: {  	v9 =	vld [tilespmem:$0x10]  }
0x11: {  	v0 =	vlaneseq.u32  }
0x12: {  	v0 =	vmul.u32 $0x80, v0;
	v10 =	vld [tilespmem:$0x20]  }
0x13: {  	v1 =	vand.u32 $0x7F, v8  }
0x14: {  	v11 =	vld [tilespmem:$0x30];
	v4 =	vor.u32 v0, v1  }
0x15: {  	v2 =	vand.u32 $0x7F, v9;
	v1 =	vor.u32 $0x800, v0  }
0x16: {  	v12 =	vld [tilespmem:$0x40];
	v5 =	vor.u32 v1, v2  }
0x17: {  	v13 =	vld [tilespmem:$0x50];
	v3 =	vand.u32 $0x7F, v10;
	v2 =	vor.u32 $0x1000, v0  }
0x18: {  	v15 =	vld [tilespmem:$0x60];
	v7 =	vor.u32 v2, v3  }
0x19: {  	v6 =	vand.u32 $0x7F, v11;
	v3 =	vor.u32 $0x1800, v0;
	v14 =	vld.idx.msk [tilespmem:v4+s6+$0x0], $0xffff  }
0x1a: {  	v18 =	vld [tilespmem:$0x70];
	v16 =	vor.u32 v3, v6  }
0x1b: {  	v6 =	vand.u32 $0x7F, v12;
	v4 =	vor.u32 $0x2000, v0;
	v17 =	vld.idx.msk [tilespmem:v5+s6+$0x0], $0xffff  }
0x1c: {  	v19 =	vor.u32 v4, v6  }
0x1d: {  	v20 =	vand.u32 $0x7F, v13;
	v22 =	vand.u32 $0x7F, v15;
	v5 =	vor.u32 $0x2800, v0;
	v21 =	vld.idx.msk [tilespmem:v7+s6+$0x0], $0xffff  }
0x1e: {  	vm0 =	veq.s32 v8, $0x0;
	v20 =	vor.u32 v5, v20;
	v14 =	vadd.f32 $0.0e+00, v14  }
0x1f: {  	vm1 =	veq.s32 v9, $0x0;
	v57 =	vand.u32 $0x7F, v18;
	v6 =	vor.u32 $0x3000, v0;
	v16 =	vld.idx.msk [tilespmem:v16+s6+$0x0], $0xffff  }
0x20: {  	v8 =	vor.u32 v6, v22;
	v56 =	vsel vm1, $0x0, v17;
	v55 =	vsel vm0, $0x0, v14  }
0x21: {  	vm10 =	veq.s32 v10, $0x0;
	v7 =	vor.u32 $0x3800, v0;
	v19 =	vld.idx.msk [tilespmem:v19+s6+$0x0], $0xffff;
	v9 =	vadd.f32 v56, v55  }
0x22: {  	v58 =	vor.u32 v7, v57;
	v59 =	vsel vm10, $0x0, v21  }
0x23: {  	vm11 =	veq.s32 v11, $0x0;
	v60 =	vld.idx.msk [tilespmem:v20+s6+$0x0], $0xffff;
	v9 =	vadd.f32 v59, v9  }
0x24: {  	v11 =	vsel vm11, $0x0, v16  }
0x25: {  	vm12 =	veq.s32 v12, $0x0;
	v8 =	vld.idx.msk [tilespmem:v8+s6+$0x0], $0xffff;
	v9 =	vadd.f32 v11, v9  }
0x26: {  	v61 =	vsel vm12, $0x0, v19  }
0x27: {  	vm13 =	veq.s32 v13, $0x0;
	v10 =	vld.idx.msk [tilespmem:v58+s6+$0x0], $0xffff;
	v9 =	vadd.f32 v61, v9  }
0x28: {  	v62 =	vsel vm13, $0x0, v60  }
0x29: {  	s9 =	ssub.s32 $0x2, s9;
	vm14 =	veq.s32 v15, $0x0;
	v9 =	vadd.f32 v62, v9  }
0x2a: {  	s11 =	sshrl.u32 s9, $0x1;
	v8 =	vsel vm14, $0x0, v8  }
0x2b: {  	s9 =	ssub.s32 s9, s11;
	vm15 =	veq.s32 v18, $0x0;
	v8 =	vadd.f32 v8, v9  }
0x2c: {  	s31 =	smax.u32 s9, $0x1;
	v63 =	vsel vm15, $0x0, v10  }
0x2d: {  	s10 =	sshll.u32 s10, $0x1;
	p0 =	sne.s32 s31, $0x1;
	v8 =	vadd.f32 v63, v8  }
.Ltmp0:
0x2e: {  	s8 =	sadd.s32 s10, s8;
	(pc) =	sbr.rel @!p0 .LBB2_2-.Ltmp0, $4  }
0x2f: {  	s8 =	sadd.s32 $0x10400, s8;
	s9 =	simm.s32 $0x4080;
	[tilespmem:$0x4080] =	vst v8  }
0x30: {  	[hbm4b:s8+s2] =	stream.linear.scatter [tilespmem:s9], [sflag:$0x2], $0x10, $0x38;
	[tilespmem:$0x4100] =	vst v63  }
0x31: {  	_ =	swait.ge [sflag:s3], $0x10  }
0x32: {  	s10 =	sadd.s32 $0xFFFFFFFF, s31;
	[sflag:s3] =	ssyncset.done $0x0  }
.LBB2_1:
0x33: {  	p0 =	sne.s32 s10, $0x1;
	s10 =	sadd.s32 $0xFFFFFFFF, s10;
	[sflag:s3] =	ssyncadd.s32 $0xFFFFFFF0  }
0x34: {  	[tilespmem:s2], [sflag:$0x2] =	stream.linear.gather [hbm4b:s4+s2], $0x80, $0x38;
	[tilespmem:$0x4100] =	vst v63  }
0x35: {  	_ =	swait.ge [sflag:s3], $0x80  }
0x36: {  	[sflag:s3] =	ssyncset.done $0x0  }
0x37: {  	[sflag:s3] =	ssyncadd.s32 $0xFFFFFF80  }
0x38: {  	[tilespmem:s6], [sflag:$0x1] =	stream.linear.gather [hbm4b:s5+s2], $0x4000, $0x38;
	[tilespmem:$0x4100] =	vst v63  }
0x39: {  	_ =	swait.ge [sflag:s7], $0x4000  }
0x3a: {  	[sflag:s7] =	ssyncset.done $0x0  }
0x3b: {  	[sflag:s7] =	ssyncadd.s32 $0xFFFFC000  }
0x3c: {  	v8 =	vld [tilespmem:$0x0]  }
0x3d: {  	v9 =	vld [tilespmem:$0x10]  }
0x3e: {  	v10 =	vld [tilespmem:$0x20]  }
0x3f: {  	v11 =	vld [tilespmem:$0x30]  }
0x40: {  	v12 =	vld [tilespmem:$0x40]  }
0x41: {  	v13 =	vand.u32 $0x7F, v8;
	v14 =	vld [tilespmem:$0x50]  }
0x42: {  	v13 =	vor.u32 v0, v13;
	v15 =	vand.u32 $0x7F, v9;
	v16 =	vld [tilespmem:$0x60]  }
0x43: {  	v15 =	vor.u32 v1, v15;
	v17 =	vand.u32 $0x7F, v10;
	v18 =	vld [tilespmem:$0x70]  }
0x44: {  	v17 =	vor.u32 v2, v17;
	v19 =	vand.u32 $0x7F, v11  }
0x45: {  	v19 =	vor.u32 v3, v19;
	v20 =	vand.u32 $0x7F, v12  }
0x46: {  	v20 =	vor.u32 v4, v20;
	v21 =	vand.u32 $0x7F, v14  }
0x47: {  	v13 =	vld.idx.msk [tilespmem:v13+s6+$0x0], $0xffff;
	v21 =	vor.u32 v5, v21;
	v22 =	vand.u32 $0x7F, v16  }
0x48: {  	v15 =	vld.idx.msk [tilespmem:v15+s6+$0x0], $0xffff;
	v22 =	vor.u32 v6, v22;
	v23 =	vand.u32 $0x7F, v18  }
0x49: {  	v17 =	vld.idx.msk [tilespmem:v17+s6+$0x0], $0xffff;
	v23 =	vor.u32 v7, v23  }
0x4a: {  	v19 =	vld.idx.msk [tilespmem:v19+s6+$0x0], $0xffff  }
0x4b: {  	v20 =	vld.idx.msk [tilespmem:v20+s6+$0x0], $0xffff  }
0x4c: {  	v21 =	vld.idx.msk [tilespmem:v21+s6+$0x0], $0xffff  }
0x4d: {  	v13 =	vadd.f32 $0.0e+00, v13;
	v22 =	vld.idx.msk [tilespmem:v22+s6+$0x0], $0xffff  }
0x4e: {  	vm0 =	veq.s32 v8, $0x0;
	vm1 =	veq.s32 v9, $0x0;
	v8 =	vld.idx.msk [tilespmem:v23+s6+$0x0], $0xffff  }
0x4f: {  	v9 =	vsel vm0, $0x0, v13;
	v13 =	vsel vm1, $0x0, v15  }
0x50: {  	vm0 =	veq.s32 v10, $0x0;
	v9 =	vadd.f32 v13, v9  }
0x51: {  	v10 =	vsel vm0, $0x0, v17  }
0x52: {  	vm0 =	veq.s32 v11, $0x0;
	v9 =	vadd.f32 v10, v9  }
0x53: {  	v10 =	vsel vm0, $0x0, v19  }
0x54: {  	vm0 =	veq.s32 v12, $0x0;
	v9 =	vadd.f32 v10, v9  }
0x55: {  	v10 =	vsel vm0, $0x0, v20  }
0x56: {  	vm0 =	veq.s32 v14, $0x0;
	v9 =	vadd.f32 v10, v9  }
0x57: {  	v10 =	vsel vm0, $0x0, v21  }
0x58: {  	vm0 =	veq.s32 v16, $0x0;
	v9 =	vadd.f32 v10, v9  }
0x59: {  	v10 =	vsel vm0, $0x0, v22  }
0x5a: {  	vm0 =	veq.s32 v18, $0x0;
	v9 =	vadd.f32 v10, v9  }
0x5b: {  	v8 =	vsel vm0, $0x0, v8  }
0x5c: {  	v8 =	vadd.f32 v8, v9  }
.Ltmp1:
0x5d: {  	(pc) =	sbr.rel @p0 .LBB2_1-.Ltmp1, $4  }
0x5e: {  	[tilespmem:$0x4080] =	vst v8  }
0x5f: {  	[hbm4b:s8+s2] =	stream.linear.scatter [tilespmem:s9], [sflag:$0x2], $0x10, $0x38;
	[tilespmem:$0x4100] =	vst v63  }
0x60: {  	_ =	swait.ge [sflag:s3], $0x10  }
0x61: {  	[sflag:s3] =	ssyncset.done $0x0  }
.LBB2_2:
0x62: {  	[sflag:s3] =	ssyncadd.s32 $0xFFFFFFF0  }
0x63: {  	_ =	sfence.sel $0x180000  }
0x64: {  	[bflag:$0x0] =	sbarrier.arrive $0xFFFF  }
0x65: {  	p0 =	sne.s32 s1, $0x0;
	_ =	strace $0x90000047  }
0x66: {  	s0 =	sadd.s32 @!p0 $0x100000, s0;
	[bflag:$0x2] =	sbarrier.arrive $0xFFFF  }
0x67: {  	[sflag:s0] =	ssyncadd.tile.s32 @!p0 $0x1;
	_ =	shalt  }
.Lfunc_end2:
_tile_overlayer_lowered:
.L_overlay_start_2:
0x68: {  	(tag) =	ssettag $0x2  }
0x69: {  	s0 =	rddreg [dreg:$0x0];
	s2 =	stileid.u32  }
0x6a: {  	s1 =	rddreg [dreg:$0x1];
	p0 =	sne.s32 s2, $0x0  }
0x6b: {  	s3 =	rddreg [dreg:$0x2];
	[bflag:$0x3] =	sbarrier.arrive $0xFFFF;
	s2 =	simm.s32 @!p0 $0x1C02  }
0x6c: {  	[timem:s3], [sflag:s2] =	dma.local @!p0 [hbm:s0], s1  }
0x6d: {  	s0 =	simm.s32 @!p0 $0x2  }
0x6e: {  	_ =	swait.ge @!p0 [sflag:s0], s1  }
0x6f: {  	s1 =	ssub.s32 @!p0 $0x0, s1;
	[sflag:s0] =	ssyncset.done @!p0 $0x0  }
0x70: {  	[sflag:s0] =	ssyncadd.s32 @!p0 s1  }
0x71: {  	[bflag:$0x3] =	sbarrier.arrive $0xFFFF  }
0x72: {  	_ =	shalt  }

</sc_bundles>
